<compile_context>
chip_gen: v7x
topology: tpu7x:2x2x1
jax: 0.10.2.dev20260603
libtpu: 0.0.44.dev20260713+nightly
codegen_flags: <defaults>
</compile_context>

<pallas_src>
import jax
import jax.numpy as jnp
from jax import lax
from jax.experimental import pallas as pl
from jax.experimental.pallas import tpu as pltpu
from jax.experimental.pallas import tpu_sc as plsc

NUM_CORES = 2
NUM_SUBCORES = 16
LANES = 16
NW = NUM_CORES * NUM_SUBCORES
BATCH = 16384
BPW = BATCH // NW

GAMMA = 0.25
ALPHA = GAMMA * 4.0
BETA = ALPHA * 200.0 / 20.0


def _log1p(t):
    z = t / (t + 2.0)
    z2 = z * z
    p = 1.0 / 9.0
    for c in (1.0 / 7.0, 1.0 / 5.0, 1.0 / 3.0, 1.0):
        p = c + z2 * p
    return 2.0 * z * p


def _logsig(x):
    return jnp.minimum(x, 0.0) - _log1p(jnp.exp(-jnp.abs(x)))


def _body(inst, prd, ie, qi, qp, pred_out, q_out, reg_out,
          idx_v, pidx_v, idxe, idxq, qp_tab, po_v, qi_v,
          acc_v, red_v, out_v, shared, sem, sem2):
    cid = lax.axis_index("c")
    sid = lax.axis_index("s")
    wid = sid * NUM_CORES + cid
    base = wid * BPW

    cp_tab = pltpu.async_copy(qp, qp_tab, sem2)
    cp_i = pltpu.async_copy(inst.at[pl.ds(base, BPW)], idx_v, sem)
    cp_p = pltpu.async_copy(prd.at[pl.ds(base, BPW)], pidx_v, sem)
    cp_i.wait()
    cp_p.wait()

    def build(k, carry):
        t = k // 8
        u = k - t * 8
        pe = t * 256 + u * LANES
        v = idx_v[pl.ds(k * LANES, LANES)]
        idxe[pl.ds(pe, LANES)] = v
        idxe[pl.ds(pe + 128, LANES)] = v + 100000
        for c1 in range(2):
            for c2 in range(2):
                sl = pl.ds(c1 * 1024 + t * 256 + c2 * 128 + u * LANES, LANES)
                idxq[sl] = v + (2 * c1 + c2) * 100000
        return carry

    lax.fori_loop(0, BPW // LANES, build, 0, unroll=2)

    half = BPW
    cp_e1 = pltpu.async_copy(ie.at[idxe.at[pl.ds(0, half)]],
                             po_v.at[pl.ds(0, half)], sem)
    cp_e2 = pltpu.async_copy(ie.at[idxe.at[pl.ds(half, half)]],
                             po_v.at[pl.ds(half, half)], sem)
    cp_q = pltpu.async_copy(qi.at[idxq], qi_v, sem)
    cp_e1.wait()

    def pred_step(k, carry):
        sl = pl.ds(k * LANES, LANES)
        po_v[sl] = _logsig(po_v[sl])
        return carry

    lax.fori_loop(0, BPW // LANES, pred_step, 0, unroll=2)
    cp_e2.wait()
    lax.fori_loop(BPW // LANES, 2 * BPW // LANES, pred_step, 0, unroll=2)

    cp_q.wait()
    cp_tab.wait()

    def compute(k, carry):
        acc_i, acc_p = carry
        t = k // 8
        u = k - t * 8
        pq = t * 256 + u * LANES

        q0 = pl.ds(pq, LANES)
        q1 = pl.ds(pq + 128, LANES)
        q2 = pl.ds(pq + 1024, LANES)
        q3 = pl.ds(pq + 1152, LANES)
        a0 = qi_v[q0]
        a1 = qi_v[q1]
        a2 = qi_v[q2]
        a3 = qi_v[q3]
        pld = pidx_v[pl.ds(k * LANES, LANES)]
        b0 = plsc.load_gather(qp_tab, [pld])
        b1 = plsc.load_gather(qp_tab, [pld + 1000])
        b2 = plsc.load_gather(qp_tab, [pld + 2000])
        b3 = plsc.load_gather(qp_tab, [pld + 3000])
        acc_i = acc_i + a0 * a0 + a1 * a1 + a2 * a2 + a3 * a3
        acc_p = acc_p + b0 * b0 + b1 * b1 + b2 * b2 + b3 * b3
        x0 = a0 + b0
        x1 = a1 + b1
        x2 = a2 + b2
        x3 = a3 + b3
        m01 = jnp.maximum(x0, x1)
        l01 = m01 + _log1p(jnp.exp(jnp.minimum(x0, x1) - m01))
        m23 = jnp.maximum(x2, x3)
        l23 = m23 + _log1p(jnp.exp(jnp.minimum(x2, x3) - m23))
        qi_v[q0] = x0 - l01
        qi_v[q1] = x1 - l01
        qi_v[q2] = x2 - l23
        qi_v[q3] = x3 - l23
        return acc_i, acc_p

    zero = jnp.zeros((LANES,), jnp.float32)
    acc_i, acc_p = lax.fori_loop(0, BPW // LANES, compute, (zero, zero),
                                 unroll=2)

    pltpu.sync_copy(po_v, pred_out.at[pl.ds(wid * 2 * BPW, 2 * BPW)])
    pltpu.sync_copy(qi_v.at[pl.ds(0, 2 * BPW)], q_out.at[pl.ds(wid * 2 * BPW, 2 * BPW)])
    pltpu.sync_copy(qi_v.at[pl.ds(2 * BPW, 2 * BPW)],
                    q_out.at[pl.ds(2 * BATCH + wid * 2 * BPW, 2 * BPW)])

    acc_v[0, :] = acc_i * (BETA * 0.5)
    acc_v[1, :] = acc_p * (ALPHA * 0.5)
    pltpu.sync_copy(acc_v, shared.at[sid])
    plsc.subcore_barrier()

    @pl.when(sid == 0)
    def _():
        pltpu.sync_copy(shared, red_v)
        ti = red_v[0, 0, :]
        tp = red_v[0, 1, :]
        for s in range(1, NUM_SUBCORES):
            ti = ti + red_v[s, 0, :]
            tp = tp + red_v[s, 1, :]
        out_v[0, :] = jnp.full((LANES,), jnp.sum(ti), jnp.float32)
        out_v[1, :] = jnp.full((LANES,), jnp.sum(tp), jnp.float32)
        pltpu.sync_copy(out_v, reg_out.at[cid])


_sc_call = pl.kernel(
    _body,
    mesh=plsc.VectorSubcoreMesh(core_axis_name="c", subcore_axis_name="s"),
    compiler_params=pltpu.CompilerParams(
        needs_layout_passes=False,
        use_tc_tiling_on_sc=False,
        skip_device_barrier=True,
    ),
    out_type=[
        jax.ShapeDtypeStruct((BATCH * 2,), jnp.float32),
        jax.ShapeDtypeStruct((BATCH * 4,), jnp.float32),
        jax.ShapeDtypeStruct((NUM_CORES, 2, LANES), jnp.float32),
    ],
    scratch_types=[
        pltpu.VMEM((BPW,), jnp.int32),
        pltpu.VMEM((BPW,), jnp.int32),
        pltpu.VMEM((2 * BPW,), jnp.int32),
        pltpu.VMEM((4 * BPW,), jnp.int32),
        pltpu.VMEM((4000,), jnp.float32),
        pltpu.VMEM((2 * BPW,), jnp.float32),
        pltpu.VMEM((4 * BPW,), jnp.float32),
        pltpu.VMEM((2, LANES), jnp.float32),
        pltpu.VMEM((NUM_SUBCORES, 2, LANES), jnp.float32),
        pltpu.VMEM((2, LANES), jnp.float32),
        pltpu.VMEM_SHARED((NUM_SUBCORES, 2, LANES), jnp.float32),
        pltpu.SemaphoreType.DMA,
        pltpu.SemaphoreType.DMA,
    ],
)


def kernel(instances, predictors, labels, instance_emb, q_i_emb, q_p_emb):
    del labels
    pred, q, reg = _sc_call(
        instances, predictors,
        instance_emb.T.reshape(-1), q_i_emb.T.reshape(-1), q_p_emb.T.reshape(-1),
    )
    predictions = pred.reshape(128, 2, 128).transpose(0, 2, 1).reshape(BATCH, 2)
    q_params = q.reshape(2, 128, 2, 128).transpose(1, 3, 0, 2).reshape(BATCH, 2, 2)
    reg_i = reg[0, 0, 0] + reg[1, 0, 0]
    reg_p = reg[0, 1, 0] + reg[1, 1, 0]
    return predictions, q_params, reg_i, reg_p

# --- scband reference (transcript-rebuilt; emitter-appended) ---
"""Pipeline reference for scband-mmce-m-54571854463874 (READ-ONLY COPY).

The authoritative reference and input builder live on the scoring server;
editing this copy changes nothing except your own understanding.
"""

import jax, jax.numpy as jnp
import numpy as np

NUM_INSTANCES = 100000
NUM_PREDICTORS = 1000
NUM_LABELS = 2
AVG_LABELS_PER_PREDICTOR = 200.0
AVG_LABELS_PER_ITEM = 20.0
BATCH = 16384


def setup_inputs(seed: int = 0) -> dict:
    key = jax.random.key(seed)
    k1, k2, k3, k4, k5, k6 = jax.random.split(key, 6)
    instances = jax.random.randint(k1, (BATCH,), 0, NUM_INSTANCES, dtype=jnp.int64 if jax.config.jax_enable_x64 else jnp.int32)
    predictors = jax.random.randint(k2, (BATCH,), 0, NUM_PREDICTORS, dtype=jnp.int64 if jax.config.jax_enable_x64 else jnp.int32)
    labels = jax.random.randint(k3, (BATCH,), 0, NUM_LABELS, dtype=jnp.int64 if jax.config.jax_enable_x64 else jnp.int32)
    instance_emb = jax.random.normal(k4, (NUM_INSTANCES, NUM_LABELS), dtype=jnp.float32) * 0.05
    q_i_emb = jax.random.normal(k5, (NUM_INSTANCES, 4), dtype=jnp.float32) * 0.05
    q_p_emb = jax.random.normal(k6, (NUM_PREDICTORS, 4), dtype=jnp.float32) * 0.05
    return {
        'instances': instances,
        'predictors': predictors,
        'labels': labels,
        'instance_emb': instance_emb,
        'q_i_emb': q_i_emb,
        'q_p_emb': q_p_emb,
    }


def reference(instances, predictors, labels, instance_emb, q_i_emb, q_p_emb):
    # predictions = log_sigmoid(Embedding(instances))
    predictions = jax.nn.log_sigmoid(jnp.take(instance_emb, instances, axis=0))
    # q_i = Embedding(instances) reshaped to [-1, 2, 2]
    q_i = jnp.take(q_i_emb, instances, axis=0).reshape(-1, 2, 2)
    # q_p = Embedding(predictors) reshaped to [-1, 2, 2]
    q_p = jnp.take(q_p_emb, predictors, axis=0).reshape(-1, 2, 2)
    q_params = jax.nn.log_softmax(q_i + q_p, axis=-1)
    gamma = 0.25
    alpha = gamma * (NUM_LABELS ** 2)
    beta = alpha * AVG_LABELS_PER_PREDICTOR / AVG_LABELS_PER_ITEM
    reg_i = beta * jnp.sum(q_i * q_i) / 2.0
    reg_p = alpha * jnp.sum(q_p * q_p) / 2.0
    return predictions, q_params, reg_i, reg_p

if __name__ == "__main__":
    import jax
    _d = setup_inputs()
    print(jax.jit(kernel)(*tuple(_d.values())))

</pallas_src>

<mosaic_0001>
#map = affine_map<(d0, d1) -> (0)>
#map1 = affine_map<(d0, d1) -> (0, 0, 0)>
module attributes {stable_mosaic.version = 14 : i64} {
  func.func @_body(%arg0: i32, %arg1: i32, %arg2: memref<16384xi32, #tpu.memory_space<hbm>>, %arg3: memref<16384xi32, #tpu.memory_space<hbm>>, %arg4: memref<200000xf32, #tpu.memory_space<hbm>>, %arg5: memref<400000xf32, #tpu.memory_space<hbm>>, %arg6: memref<4000xf32, #tpu.memory_space<hbm>>, %arg7: memref<32768xf32, #tpu.memory_space<hbm>>, %arg8: memref<65536xf32, #tpu.memory_space<hbm>>, %arg9: memref<2x2x16xf32, #tpu.memory_space<hbm>>, %arg10: memref<512xi32, #tpu.memory_space<vmem>>, %arg11: memref<512xi32, #tpu.memory_space<vmem>>, %arg12: memref<1024xi32, #tpu.memory_space<vmem>>, %arg13: memref<2048xi32, #tpu.memory_space<vmem>>, %arg14: memref<4000xf32, #tpu.memory_space<vmem>>, %arg15: memref<1024xf32, #tpu.memory_space<vmem>>, %arg16: memref<2048xf32, #tpu.memory_space<vmem>>, %arg17: memref<2x16xf32, #tpu.memory_space<vmem>>, %arg18: memref<16x2x16xf32, #tpu.memory_space<vmem>>, %arg19: memref<2x16xf32, #tpu.memory_space<vmem>>, %arg20: memref<16x2x16xf32, #tpu.memory_space<vmem_shared>>, %arg21: memref<!tpu.dma_semaphore, #tpu.memory_space<semaphore_mem>>, %arg22: memref<!tpu.dma_semaphore, #tpu.memory_space<semaphore_mem>>) attributes {dimension_semantics = [#tpu.dimension_semantics<core_parallel>, #tpu.dimension_semantics<subcore_parallel>], iteration_bounds = array<i64: 2, 16>, scalar_prefetch = 0 : i64, scratch_operands = 13 : i64, tpu.core_type = #tpu.core_type<sc_vector_subcore>, window_params = [{transform_indices = #map}, {transform_indices = #map}, {transform_indices = #map}, {transform_indices = #map}, {transform_indices = #map}, {transform_indices = #map}, {transform_indices = #map}, {transform_indices = #map1}]} {
    %mul3A = arith.constant 2 : i32
    %mul3A_0 = arith.muli %arg1, %mul3A : i32
    %add3A = arith.addi %mul3A_0, %arg0 : i32
    %mul3A_1 = arith.constant 512 : i32
    %mul3A_2 = arith.muli %add3A, %mul3A_1 : i32
    tpu.enqueue_dma source(%arg6 : memref<4000xf32, #tpu.memory_space<hbm>>) target(%arg14 : memref<4000xf32, #tpu.memory_space<vmem>>) target_semaphore(%arg22 : memref<!tpu.dma_semaphore, #tpu.memory_space<semaphore_mem>>)
    %dma_start3A = tpu.memref_slice %arg2[%mul3A_2] : memref<16384xi32, #tpu.memory_space<hbm>> -> memref<512xi32, #tpu.memory_space<hbm>>
    %dma_start3A_3 = tpu.memref_slice %arg2[%mul3A_2] : memref<16384xi32, #tpu.memory_space<hbm>> -> memref<512xi32, #tpu.memory_space<hbm>>
    tpu.enqueue_dma source(%dma_start3A_3 : memref<512xi32, #tpu.memory_space<hbm>>) target(%arg10 : memref<512xi32, #tpu.memory_space<vmem>>) target_semaphore(%arg21 : memref<!tpu.dma_semaphore, #tpu.memory_space<semaphore_mem>>)
    %dma_start3A_4 = tpu.memref_slice %arg3[%mul3A_2] : memref<16384xi32, #tpu.memory_space<hbm>> -> memref<512xi32, #tpu.memory_space<hbm>>
    %dma_start3A_5 = tpu.memref_slice %arg3[%mul3A_2] : memref<16384xi32, #tpu.memory_space<hbm>> -> memref<512xi32, #tpu.memory_space<hbm>>
    tpu.enqueue_dma source(%dma_start3A_5 : memref<512xi32, #tpu.memory_space<hbm>>) target(%arg11 : memref<512xi32, #tpu.memory_space<vmem>>) target_semaphore(%arg21 : memref<!tpu.dma_semaphore, #tpu.memory_space<semaphore_mem>>)
    %dma_wait3A = tpu.memref_slice %arg2[%mul3A_2] : memref<16384xi32, #tpu.memory_space<hbm>> -> memref<512xi32, #tpu.memory_space<hbm>>
    %dma_wait3A_6 = tpu.memref_slice %arg2[%mul3A_2] : memref<16384xi32, #tpu.memory_space<hbm>> -> memref<512xi32, #tpu.memory_space<hbm>>
    tpu.wait_dma2 semaphore(%arg21 : memref<!tpu.dma_semaphore, #tpu.memory_space<semaphore_mem>>) src(%dma_wait3A_6 : memref<512xi32, #tpu.memory_space<hbm>>) dst(%arg10 : memref<512xi32, #tpu.memory_space<vmem>>)
    %dma_wait3A_7 = tpu.memref_slice %arg3[%mul3A_2] : memref<16384xi32, #tpu.memory_space<hbm>> -> memref<512xi32, #tpu.memory_space<hbm>>
    %dma_wait3A_8 = tpu.memref_slice %arg3[%mul3A_2] : memref<16384xi32, #tpu.memory_space<hbm>> -> memref<512xi32, #tpu.memory_space<hbm>>
    tpu.wait_dma2 semaphore(%arg21 : memref<!tpu.dma_semaphore, #tpu.memory_space<semaphore_mem>>) src(%dma_wait3A_8 : memref<512xi32, #tpu.memory_space<hbm>>) dst(%arg11 : memref<512xi32, #tpu.memory_space<vmem>>)
    %scan3A = arith.constant 0 : i32
    %scan3A_9 = arith.constant 0 : i32
    %scan3A_10 = arith.constant 32 : i32
    %scan3A_11 = arith.addi %scan3A_9, %scan3A_10 : i32
    %scan3A_12 = arith.constant 2 : i32
    scf.for %scan3A_90 = %scan3A_9 to %scan3A_11 step %scan3A_12  : i32 {
      %jit3A = arith.constant 8 : i32
      %div3A = arith.divsi %scan3A_90, %jit3A : i32
      %sign3A = arith.constant 0 : i32
      %sign3A_91 = arith.cmpi sgt, %scan3A_90, %sign3A : i32
      %sign3A_92 = arith.extui %sign3A_91 : i1 to i32
      %sign3A_93 = arith.constant 0 : i32
      %sign3A_94 = arith.cmpi slt, %scan3A_90, %sign3A_93 : i32
      %sign3A_95 = arith.extui %sign3A_94 : i1 to i32
      %sign3A_96 = arith.subi %sign3A_92, %sign3A_95 : i32
      %sign3A_97 = arith.constant 0 : i32
      %sign3A_98 = arith.cmpi sgt, %jit3A, %sign3A_97 : i32
      %sign3A_99 = arith.extui %sign3A_98 : i1 to i32
      %sign3A_100 = arith.constant 0 : i32
      %sign3A_101 = arith.cmpi slt, %jit3A, %sign3A_100 : i32
      %sign3A_102 = arith.extui %sign3A_101 : i1 to i32
      %sign3A_103 = arith.subi %sign3A_99, %sign3A_102 : i32
      %ne3A = arith.cmpi ne, %sign3A_96, %sign3A_103 : i32
      %rem3A = arith.remsi %scan3A_90, %jit3A : i32
      %ne3A_104 = arith.constant 0 : i32
      %ne3A_105 = arith.cmpi ne, %rem3A, %ne3A_104 : i32
      %and3A = arith.andi %ne3A, %ne3A_105 : i1
      %sub3A = arith.constant 1 : i32
      %sub3A_106 = arith.subi %div3A, %sub3A : i32
      %select_n3A = arith.select %and3A, %sub3A_106, %div3A : i32
      %mul3A_107 = arith.constant 8 : i32
      %mul3A_108 = arith.muli %select_n3A, %mul3A_107 : i32
      %sub3A_109 = arith.subi %scan3A_90, %mul3A_108 : i32
      %mul3A_110 = arith.constant 256 : i32
      %mul3A_111 = arith.muli %select_n3A, %mul3A_110 : i32
      %mul3A_112 = arith.constant 16 : i32
      %mul3A_113 = arith.muli %sub3A_109, %mul3A_112 : i32
      %add3A_114 = arith.addi %mul3A_111, %mul3A_113 : i32
      %mul3A_115 = arith.constant 16 : i32
      %mul3A_116 = arith.muli %scan3A_90, %mul3A_115 : i32
      %get3A = arith.index_cast %mul3A_116 : i32 to index
      %get3A_117 = tpu.vector_load %arg10[%get3A] {strides = array<i32>} : memref<512xi32, #tpu.memory_space<vmem>>, vector<16xi32>,
      %swap3A_118 = arith.index_cast %add3A_114 : i32 to index
      %swap3A_119 = tpu.vector_load %arg12[%swap3A_118] {strides = array<i32>} : memref<1024xi32, #tpu.memory_space<vmem>>, vector<16xi32>,
      tpu.vector_store %arg12[%swap3A_118], %get3A_117 {strides = array<i32>} : memref<1024xi32, #tpu.memory_space<vmem>>, vector<16xi32>,
      %add3A_120 = arith.constant 100000 : i32
      %add3A_121 = vector.broadcast %add3A_120 : i32 to vector<16xi32>
      %add3A_122 = arith.addi %get3A_117, %add3A_121 : vector<16xi32>
      %add3A_123 = arith.constant 128 : i32
      %add3A_124 = arith.addi %add3A_114, %add3A_123 : i32
      %swap3A_125 = arith.index_cast %add3A_124 : i32 to index
      %swap3A_126 = tpu.vector_load %arg12[%swap3A_125] {strides = array<i32>} : memref<1024xi32, #tpu.memory_space<vmem>>, vector<16xi32>,
      tpu.vector_store %arg12[%swap3A_125], %add3A_122 {strides = array<i32>} : memref<1024xi32, #tpu.memory_space<vmem>>, vector<16xi32>,
      %mul3A_127 = arith.constant 256 : i32
      %mul3A_128 = arith.muli %select_n3A, %mul3A_127 : i32
      %add3A_129 = arith.constant 0 : i32
      %add3A_130 = arith.addi %add3A_129, %mul3A_128 : i32
      %add3A_131 = arith.constant 0 : i32
      %add3A_132 = arith.addi %add3A_130, %add3A_131 : i32
      %mul3A_133 = arith.constant 16 : i32
      %mul3A_134 = arith.muli %sub3A_109, %mul3A_133 : i32
      %add3A_135 = arith.addi %add3A_132, %mul3A_134 : i32
      %add3A_136 = arith.constant 0 : i32
      %add3A_137 = vector.broadcast %add3A_136 : i32 to vector<16xi32>
      %add3A_138 = arith.addi %get3A_117, %add3A_137 : vector<16xi32>
      %swap3A_139 = arith.index_cast %add3A_135 : i32 to index
      %swap3A_140 = tpu.vector_load %arg13[%swap3A_139] {strides = array<i32>} : memref<2048xi32, #tpu.memory_space<vmem>>, vector<16xi32>,
      tpu.vector_store %arg13[%swap3A_139], %add3A_138 {strides = array<i32>} : memref<2048xi32, #tpu.memory_space<vmem>>, vector<16xi32>,
      %mul3A_141 = arith.constant 256 : i32
      %mul3A_142 = arith.muli %select_n3A, %mul3A_141 : i32
      %add3A_143 = arith.constant 0 : i32
      %add3A_144 = arith.addi %add3A_143, %mul3A_142 : i32
      %add3A_145 = arith.constant 128 : i32
      %add3A_146 = arith.addi %add3A_144, %add3A_145 : i32
      %mul3A_147 = arith.constant 16 : i32
      %mul3A_148 = arith.muli %sub3A_109, %mul3A_147 : i32
      %add3A_149 = arith.addi %add3A_146, %mul3A_148 : i32
      %add3A_150 = arith.constant 100000 : i32
      %add3A_151 = vector.broadcast %add3A_150 : i32 to vector<16xi32>
      %add3A_152 = arith.addi %get3A_117, %add3A_151 : vector<16xi32>
      %swap3A_153 = arith.index_cast %add3A_149 : i32 to index
      %swap3A_154 = tpu.vector_load %arg13[%swap3A_153] {strides = array<i32>} : memref<2048xi32, #tpu.memory_space<vmem>>, vector<16xi32>,
      tpu.vector_store %arg13[%swap3A_153], %add3A_152 {strides = array<i32>} : memref<2048xi32, #tpu.memory_space<vmem>>, vector<16xi32>,
      %mul3A_155 = arith.constant 256 : i32
      %mul3A_156 = arith.muli %select_n3A, %mul3A_155 : i32
      %add3A_157 = arith.constant 1024 : i32
      %add3A_158 = arith.addi %add3A_157, %mul3A_156 : i32
      %add3A_159 = arith.constant 0 : i32
      %add3A_160 = arith.addi %add3A_158, %add3A_159 : i32
      %mul3A_161 = arith.constant 16 : i32
      %mul3A_162 = arith.muli %sub3A_109, %mul3A_161 : i32
      %add3A_163 = arith.addi %add3A_160, %mul3A_162 : i32
      %add3A_164 = arith.constant 200000 : i32
      %add3A_165 = vector.broadcast %add3A_164 : i32 to vector<16xi32>
      %add3A_166 = arith.addi %get3A_117, %add3A_165 : vector<16xi32>
      %swap3A_167 = arith.index_cast %add3A_163 : i32 to index
      %swap3A_168 = tpu.vector_load %arg13[%swap3A_167] {strides = array<i32>} : memref<2048xi32, #tpu.memory_space<vmem>>, vector<16xi32>,
      tpu.vector_store %arg13[%swap3A_167], %add3A_166 {strides = array<i32>} : memref<2048xi32, #tpu.memory_space<vmem>>, vector<16xi32>,
      %mul3A_169 = arith.constant 256 : i32
      %mul3A_170 = arith.muli %select_n3A, %mul3A_169 : i32
      %add3A_171 = arith.constant 1024 : i32
      %add3A_172 = arith.addi %add3A_171, %mul3A_170 : i32
      %add3A_173 = arith.constant 128 : i32
      %add3A_174 = arith.addi %add3A_172, %add3A_173 : i32
      %mul3A_175 = arith.constant 16 : i32
      %mul3A_176 = arith.muli %sub3A_109, %mul3A_175 : i32
      %add3A_177 = arith.addi %add3A_174, %mul3A_176 : i32
      %add3A_178 = arith.constant 300000 : i32
      %add3A_179 = vector.broadcast %add3A_178 : i32 to vector<16xi32>
      %add3A_180 = arith.addi %get3A_117, %add3A_179 : vector<16xi32>
      %swap3A_181 = arith.index_cast %add3A_177 : i32 to index
      %swap3A_182 = tpu.vector_load %arg13[%swap3A_181] {strides = array<i32>} : memref<2048xi32, #tpu.memory_space<vmem>>, vector<16xi32>,
      tpu.vector_store %arg13[%swap3A_181], %add3A_180 {strides = array<i32>} : memref<2048xi32, #tpu.memory_space<vmem>>, vector<16xi32>,
      %scan3A_183 = arith.constant 1 : i32
      %scan3A_184 = arith.addi %scan3A_90, %scan3A_183 : i32
      %jit3A_185 = arith.constant 8 : i32
      %div3A_186 = arith.divsi %scan3A_184, %jit3A_185 : i32
      %sign3A_187 = arith.constant 0 : i32
      %sign3A_188 = arith.cmpi sgt, %scan3A_184, %sign3A_187 : i32
      %sign3A_189 = arith.extui %sign3A_188 : i1 to i32
      %sign3A_190 = arith.constant 0 : i32
      %sign3A_191 = arith.cmpi slt, %scan3A_184, %sign3A_190 : i32
      %sign3A_192 = arith.extui %sign3A_191 : i1 to i32
      %sign3A_193 = arith.subi %sign3A_189, %sign3A_192 : i32
      %sign3A_194 = arith.constant 0 : i32
      %sign3A_195 = arith.cmpi sgt, %jit3A_185, %sign3A_194 : i32
      %sign3A_196 = arith.extui %sign3A_195 : i1 to i32
      %sign3A_197 = arith.constant 0 : i32
      %sign3A_198 = arith.cmpi slt, %jit3A_185, %sign3A_197 : i32
      %sign3A_199 = arith.extui %sign3A_198 : i1 to i32
      %sign3A_200 = arith.subi %sign3A_196, %sign3A_199 : i32
      %ne3A_201 = arith.cmpi ne, %sign3A_193, %sign3A_200 : i32
      %rem3A_202 = arith.remsi %scan3A_184, %jit3A_185 : i32
      %ne3A_203 = arith.constant 0 : i32
      %ne3A_204 = arith.cmpi ne, %rem3A_202, %ne3A_203 : i32
      %and3A_205 = arith.andi %ne3A_201, %ne3A_204 : i1
      %sub3A_206 = arith.constant 1 : i32
      %sub3A_207 = arith.subi %div3A_186, %sub3A_206 : i32
      %select_n3A_208 = arith.select %and3A_205, %sub3A_207, %div3A_186 : i32
      %mul3A_209 = arith.constant 8 : i32
      %mul3A_210 = arith.muli %select_n3A_208, %mul3A_209 : i32
      %sub3A_211 = arith.subi %scan3A_184, %mul3A_210 : i32
      %mul3A_212 = arith.constant 256 : i32
      %mul3A_213 = arith.muli %select_n3A_208, %mul3A_212 : i32
      %mul3A_214 = arith.constant 16 : i32
      %mul3A_215 = arith.muli %sub3A_211, %mul3A_214 : i32
      %add3A_216 = arith.addi %mul3A_213, %mul3A_215 : i32
      %mul3A_217 = arith.constant 16 : i32
      %mul3A_218 = arith.muli %scan3A_184, %mul3A_217 : i32
      %get3A_219 = arith.index_cast %mul3A_218 : i32 to index
      %get3A_220 = tpu.vector_load %arg10[%get3A_219] {strides = array<i32>} : memref<512xi32, #tpu.memory_space<vmem>>, vector<16xi32>,
      %swap3A_221 = arith.index_cast %add3A_216 : i32 to index
      %swap3A_222 = tpu.vector_load %arg12[%swap3A_221] {strides = array<i32>} : memref<1024xi32, #tpu.memory_space<vmem>>, vector<16xi32>,
      tpu.vector_store %arg12[%swap3A_221], %get3A_220 {strides = array<i32>} : memref<1024xi32, #tpu.memory_space<vmem>>, vector<16xi32>,
      %add3A_223 = arith.constant 100000 : i32
      %add3A_224 = vector.broadcast %add3A_223 : i32 to vector<16xi32>
      %add3A_225 = arith.addi %get3A_220, %add3A_224 : vector<16xi32>
      %add3A_226 = arith.constant 128 : i32
      %add3A_227 = arith.addi %add3A_216, %add3A_226 : i32
      %swap3A_228 = arith.index_cast %add3A_227 : i32 to index
      %swap3A_229 = tpu.vector_load %arg12[%swap3A_228] {strides = array<i32>} : memref<1024xi32, #tpu.memory_space<vmem>>, vector<16xi32>,
      tpu.vector_store %arg12[%swap3A_228], %add3A_225 {strides = array<i32>} : memref<1024xi32, #tpu.memory_space<vmem>>, vector<16xi32>,
      %mul3A_230 = arith.constant 256 : i32
      %mul3A_231 = arith.muli %select_n3A_208, %mul3A_230 : i32
      %add3A_232 = arith.constant 0 : i32
      %add3A_233 = arith.addi %add3A_232, %mul3A_231 : i32
      %add3A_234 = arith.constant 0 : i32
      %add3A_235 = arith.addi %add3A_233, %add3A_234 : i32
      %mul3A_236 = arith.constant 16 : i32
      %mul3A_237 = arith.muli %sub3A_211, %mul3A_236 : i32
      %add3A_238 = arith.addi %add3A_235, %mul3A_237 : i32
      %add3A_239 = arith.constant 0 : i32
      %add3A_240 = vector.broadcast %add3A_239 : i32 to vector<16xi32>
      %add3A_241 = arith.addi %get3A_220, %add3A_240 : vector<16xi32>
      %swap3A_242 = arith.index_cast %add3A_238 : i32 to index
      %swap3A_243 = tpu.vector_load %arg13[%swap3A_242] {strides = array<i32>} : memref<2048xi32, #tpu.memory_space<vmem>>, vector<16xi32>,
      tpu.vector_store %arg13[%swap3A_242], %add3A_241 {strides = array<i32>} : memref<2048xi32, #tpu.memory_space<vmem>>, vector<16xi32>,
      %mul3A_244 = arith.constant 256 : i32
      %mul3A_245 = arith.muli %select_n3A_208, %mul3A_244 : i32
      %add3A_246 = arith.constant 0 : i32
      %add3A_247 = arith.addi %add3A_246, %mul3A_245 : i32
      %add3A_248 = arith.constant 128 : i32
      %add3A_249 = arith.addi %add3A_247, %add3A_248 : i32
      %mul3A_250 = arith.constant 16 : i32
      %mul3A_251 = arith.muli %sub3A_211, %mul3A_250 : i32
      %add3A_252 = arith.addi %add3A_249, %mul3A_251 : i32
      %add3A_253 = arith.constant 100000 : i32
      %add3A_254 = vector.broadcast %add3A_253 : i32 to vector<16xi32>
      %add3A_255 = arith.addi %get3A_220, %add3A_254 : vector<16xi32>
      %swap3A_256 = arith.index_cast %add3A_252 : i32 to index
      %swap3A_257 = tpu.vector_load %arg13[%swap3A_256] {strides = array<i32>} : memref<2048xi32, #tpu.memory_space<vmem>>, vector<16xi32>,
      tpu.vector_store %arg13[%swap3A_256], %add3A_255 {strides = array<i32>} : memref<2048xi32, #tpu.memory_space<vmem>>, vector<16xi32>,
      %mul3A_258 = arith.constant 256 : i32
      %mul3A_259 = arith.muli %select_n3A_208, %mul3A_258 : i32
      %add3A_260 = arith.constant 1024 : i32
      %add3A_261 = arith.addi %add3A_260, %mul3A_259 : i32
      %add3A_262 = arith.constant 0 : i32
      %add3A_263 = arith.addi %add3A_261, %add3A_262 : i32
      %mul3A_264 = arith.constant 16 : i32
      %mul3A_265 = arith.muli %sub3A_211, %mul3A_264 : i32
      %add3A_266 = arith.addi %add3A_263, %mul3A_265 : i32
      %add3A_267 = arith.constant 200000 : i32
      %add3A_268 = vector.broadcast %add3A_267 : i32 to vector<16xi32>
      %add3A_269 = arith.addi %get3A_220, %add3A_268 : vector<16xi32>
      %swap3A_270 = arith.index_cast %add3A_266 : i32 to index
      %swap3A_271 = tpu.vector_load %arg13[%swap3A_270] {strides = array<i32>} : memref<2048xi32, #tpu.memory_space<vmem>>, vector<16xi32>,
      tpu.vector_store %arg13[%swap3A_270], %add3A_269 {strides = array<i32>} : memref<2048xi32, #tpu.memory_space<vmem>>, vector<16xi32>,
      %mul3A_272 = arith.constant 256 : i32
      %mul3A_273 = arith.muli %select_n3A_208, %mul3A_272 : i32
      %add3A_274 = arith.constant 1024 : i32
      %add3A_275 = arith.addi %add3A_274, %mul3A_273 : i32
      %add3A_276 = arith.constant 128 : i32
      %add3A_277 = arith.addi %add3A_275, %add3A_276 : i32
      %mul3A_278 = arith.constant 16 : i32
      %mul3A_279 = arith.muli %sub3A_211, %mul3A_278 : i32
      %add3A_280 = arith.addi %add3A_277, %mul3A_279 : i32
      %add3A_281 = arith.constant 300000 : i32
      %add3A_282 = vector.broadcast %add3A_281 : i32 to vector<16xi32>
      %add3A_283 = arith.addi %get3A_220, %add3A_282 : vector<16xi32>
      %swap3A_284 = arith.index_cast %add3A_280 : i32 to index
      %swap3A_285 = tpu.vector_load %arg13[%swap3A_284] {strides = array<i32>} : memref<2048xi32, #tpu.memory_space<vmem>>, vector<16xi32>,
      tpu.vector_store %arg13[%swap3A_284], %add3A_283 {strides = array<i32>} : memref<2048xi32, #tpu.memory_space<vmem>>, vector<16xi32>,
    }
    %scan3A_13 = arith.constant 32 : i32
    %dma_start3A_14 = arith.constant 0 : i32
    %dma_start3A_15 = tpu.memref_slice %arg15[%dma_start3A_14] : memref<1024xf32, #tpu.memory_space<vmem>> -> memref<512xf32, #tpu.memory_space<vmem>>
    %dma_start3A_16 = arith.constant 0 : i32
    %dma_start3A_17 = tpu.memref_slice %arg12[%dma_start3A_16] : memref<1024xi32, #tpu.memory_space<vmem>> -> memref<512xi32, #tpu.memory_space<vmem>>
    %dma_start3A_18 = arith.constant 0 : i32
    %dma_start3A_19 = tpu.memref_slice %arg4[%dma_start3A_18] : memref<200000xf32, #tpu.memory_space<hbm>> -> memref<200000xf32, #tpu.memory_space<hbm>>
    tpu.enqueue_indirect_dma source(%dma_start3A_19 : memref<200000xf32, #tpu.memory_space<hbm>>) target(%dma_start3A_15 : memref<512xf32, #tpu.memory_space<vmem>>) offsets(%dma_start3A_17 : memref<512xi32, #tpu.memory_space<vmem>>) semaphore(%arg21 : memref<!tpu.dma_semaphore, #tpu.memory_space<semaphore_mem>>)
    %dma_start3A_20 = arith.constant 512 : i32
    %dma_start3A_21 = tpu.memref_slice %arg15[%dma_start3A_20] : memref<1024xf32, #tpu.memory_space<vmem>> -> memref<512xf32, #tpu.memory_space<vmem>>
    %dma_start3A_22 = arith.constant 512 : i32
    %dma_start3A_23 = tpu.memref_slice %arg12[%dma_start3A_22] : memref<1024xi32, #tpu.memory_space<vmem>> -> memref<512xi32, #tpu.memory_space<vmem>>
    %dma_start3A_24 = arith.constant 0 : i32
    %dma_start3A_25 = tpu.memref_slice %arg4[%dma_start3A_24] : memref<200000xf32, #tpu.memory_space<hbm>> -> memref<200000xf32, #tpu.memory_space<hbm>>
    tpu.enqueue_indirect_dma source(%dma_start3A_25 : memref<200000xf32, #tpu.memory_space<hbm>>) target(%dma_start3A_21 : memref<512xf32, #tpu.memory_space<vmem>>) offsets(%dma_start3A_23 : memref<512xi32, #tpu.memory_space<vmem>>) semaphore(%arg21 : memref<!tpu.dma_semaphore, #tpu.memory_space<semaphore_mem>>)
    %dma_start3A_26 = arith.constant 0 : i32
    %dma_start3A_27 = tpu.memref_slice %arg5[%dma_start3A_26] : memref<400000xf32, #tpu.memory_space<hbm>> -> memref<400000xf32, #tpu.memory_space<hbm>>
    tpu.enqueue_indirect_dma source(%dma_start3A_27 : memref<400000xf32, #tpu.memory_space<hbm>>) target(%arg16 : memref<2048xf32, #tpu.memory_space<vmem>>) offsets(%arg13 : memref<2048xi32, #tpu.memory_space<vmem>>) semaphore(%arg21 : memref<!tpu.dma_semaphore, #tpu.memory_space<semaphore_mem>>)
    %dma_wait3A_28 = arith.constant 0 : i32
    %dma_wait3A_29 = tpu.memref_slice %arg15[%dma_wait3A_28] : memref<1024xf32, #tpu.memory_space<vmem>> -> memref<512xf32, #tpu.memory_space<vmem>>
    %dma_wait3A_30 = arith.constant 0 : i32
    %dma_wait3A_31 = tpu.memref_slice %arg12[%dma_wait3A_30] : memref<1024xi32, #tpu.memory_space<vmem>> -> memref<512xi32, #tpu.memory_space<vmem>>
    %dma_wait3A_32 = arith.constant 0 : i32
    %dma_wait3A_33 = tpu.memref_slice %arg4[%dma_wait3A_32] : memref<200000xf32, #tpu.memory_space<hbm>> -> memref<200000xf32, #tpu.memory_space<hbm>>
    tpu.wait_indirect_dma semaphore(%arg21 : memref<!tpu.dma_semaphore, #tpu.memory_space<semaphore_mem>>) src(%dma_wait3A_33 : memref<200000xf32, #tpu.memory_space<hbm>>) dst(%dma_wait3A_29 : memref<512xf32, #tpu.memory_space<vmem>>)
    %scan3A_34 = arith.constant 0 : i32
    %scan3A_35 = arith.constant 0 : i32
    %scan3A_36 = arith.constant 32 : i32
    %scan3A_37 = arith.addi %scan3A_35, %scan3A_36 : i32
    %scan3A_38 = arith.constant 2 : i32
    scf.for %scan3A_90 = %scan3A_35 to %scan3A_37 step %scan3A_38  : i32 {
      %mul3A_91 = arith.constant 16 : i32
      %mul3A_92 = arith.muli %scan3A_90, %mul3A_91 : i32
      %get3A = arith.index_cast %mul3A_92 : i32 to index
      %get3A_93 = tpu.vector_load %arg15[%get3A] {strides = array<i32>} : memref<1024xf32, #tpu.memory_space<vmem>>, vector<16xf32>,
      %min3A = arith.constant 0.000000e+00 : f32
      %min3A_94 = vector.broadcast %min3A : f32 to vector<16xf32>
      %min3A_95 = arith.minimumf %get3A_93, %min3A_94 : vector<16xf32>
      %abs3A = math.absf %get3A_93 : vector<16xf32>
      %neg3A = arith.constant 0.000000e+00 : f32
      %neg3A_96 = vector.broadcast %neg3A : f32 to vector<16xf32>
      %neg3A_97 = arith.subf %neg3A_96, %abs3A : vector<16xf32>
      %exp3A = math.exp %neg3A_97 : vector<16xf32>
      %add3A_98 = arith.constant 2.000000e+00 : f32
      %add3A_99 = vector.broadcast %add3A_98 : f32 to vector<16xf32>
      %add3A_100 = arith.addf %exp3A, %add3A_99 : vector<16xf32>
      %div3A = arith.divf %exp3A, %add3A_100 : vector<16xf32>
      %mul3A_101 = arith.mulf %div3A, %div3A : vector<16xf32>
      %mul3A_102 = arith.constant 0.111111112 : f32
      %mul3A_103 = vector.broadcast %mul3A_102 : f32 to vector<16xf32>
      %mul3A_104 = arith.mulf %mul3A_101, %mul3A_103 : vector<16xf32>
      %add3A_105 = arith.constant 0.142857149 : f32
      %add3A_106 = vector.broadcast %add3A_105 : f32 to vector<16xf32>
      %add3A_107 = arith.addf %add3A_106, %mul3A_104 : vector<16xf32>
      %mul3A_108 = arith.mulf %mul3A_101, %add3A_107 : vector<16xf32>
      %add3A_109 = arith.constant 2.000000e-01 : f32
      %add3A_110 = vector.broadcast %add3A_109 : f32 to vector<16xf32>
      %add3A_111 = arith.addf %add3A_110, %mul3A_108 : vector<16xf32>
      %mul3A_112 = arith.mulf %mul3A_101, %add3A_111 : vector<16xf32>
      %add3A_113 = arith.constant 0.333333343 : f32
      %add3A_114 = vector.broadcast %add3A_113 : f32 to vector<16xf32>
      %add3A_115 = arith.addf %add3A_114, %mul3A_112 : vector<16xf32>
      %mul3A_116 = arith.mulf %mul3A_101, %add3A_115 : vector<16xf32>
      %add3A_117 = arith.constant 1.000000e+00 : f32
      %add3A_118 = vector.broadcast %add3A_117 : f32 to vector<16xf32>
      %add3A_119 = arith.addf %add3A_118, %mul3A_116 : vector<16xf32>
      %mul3A_120 = arith.constant 2.000000e+00 : f32
      %mul3A_121 = vector.broadcast %mul3A_120 : f32 to vector<16xf32>
      %mul3A_122 = arith.mulf %mul3A_121, %div3A : vector<16xf32>
      %mul3A_123 = arith.mulf %mul3A_122, %add3A_119 : vector<16xf32>
      %sub3A = arith.subf %min3A_95, %mul3A_123 : vector<16xf32>
      %swap3A_124 = arith.index_cast %mul3A_92 : i32 to index
      %swap3A_125 = tpu.vector_load %arg15[%swap3A_124] {strides = array<i32>} : memref<1024xf32, #tpu.memory_space<vmem>>, vector<16xf32>,
      tpu.vector_store %arg15[%swap3A_124], %sub3A {strides = array<i32>} : memref<1024xf32, #tpu.memory_space<vmem>>, vector<16xf32>,
      %scan3A_126 = arith.constant 1 : i32
      %scan3A_127 = arith.addi %scan3A_90, %scan3A_126 : i32
      %mul3A_128 = arith.constant 16 : i32
      %mul3A_129 = arith.muli %scan3A_127, %mul3A_128 : i32
      %get3A_130 = arith.index_cast %mul3A_129 : i32 to index
      %get3A_131 = tpu.vector_load %arg15[%get3A_130] {strides = array<i32>} : memref<1024xf32, #tpu.memory_space<vmem>>, vector<16xf32>,
      %min3A_132 = arith.constant 0.000000e+00 : f32
      %min3A_133 = vector.broadcast %min3A_132 : f32 to vector<16xf32>
      %min3A_134 = arith.minimumf %get3A_131, %min3A_133 : vector<16xf32>
      %abs3A_135 = math.absf %get3A_131 : vector<16xf32>
      %neg3A_136 = arith.constant 0.000000e+00 : f32
      %neg3A_137 = vector.broadcast %neg3A_136 : f32 to vector<16xf32>
      %neg3A_138 = arith.subf %neg3A_137, %abs3A_135 : vector<16xf32>
      %exp3A_139 = math.exp %neg3A_138 : vector<16xf32>
      %add3A_140 = arith.constant 2.000000e+00 : f32
      %add3A_141 = vector.broadcast %add3A_140 : f32 to vector<16xf32>
      %add3A_142 = arith.addf %exp3A_139, %add3A_141 : vector<16xf32>
      %div3A_143 = arith.divf %exp3A_139, %add3A_142 : vector<16xf32>
      %mul3A_144 = arith.mulf %div3A_143, %div3A_143 : vector<16xf32>
      %mul3A_145 = arith.constant 0.111111112 : f32
      %mul3A_146 = vector.broadcast %mul3A_145 : f32 to vector<16xf32>
      %mul3A_147 = arith.mulf %mul3A_144, %mul3A_146 : vector<16xf32>
      %add3A_148 = arith.constant 0.142857149 : f32
      %add3A_149 = vector.broadcast %add3A_148 : f32 to vector<16xf32>
      %add3A_150 = arith.addf %add3A_149, %mul3A_147 : vector<16xf32>
      %mul3A_151 = arith.mulf %mul3A_144, %add3A_150 : vector<16xf32>
      %add3A_152 = arith.constant 2.000000e-01 : f32
      %add3A_153 = vector.broadcast %add3A_152 : f32 to vector<16xf32>
      %add3A_154 = arith.addf %add3A_153, %mul3A_151 : vector<16xf32>
      %mul3A_155 = arith.mulf %mul3A_144, %add3A_154 : vector<16xf32>
      %add3A_156 = arith.constant 0.333333343 : f32
      %add3A_157 = vector.broadcast %add3A_156 : f32 to vector<16xf32>
      %add3A_158 = arith.addf %add3A_157, %mul3A_155 : vector<16xf32>
      %mul3A_159 = arith.mulf %mul3A_144, %add3A_158 : vector<16xf32>
      %add3A_160 = arith.constant 1.000000e+00 : f32
      %add3A_161 = vector.broadcast %add3A_160 : f32 to vector<16xf32>
      %add3A_162 = arith.addf %add3A_161, %mul3A_159 : vector<16xf32>
      %mul3A_163 = arith.constant 2.000000e+00 : f32
      %mul3A_164 = vector.broadcast %mul3A_163 : f32 to vector<16xf32>
      %mul3A_165 = arith.mulf %mul3A_164, %div3A_143 : vector<16xf32>
      %mul3A_166 = arith.mulf %mul3A_165, %add3A_162 : vector<16xf32>
      %sub3A_167 = arith.subf %min3A_134, %mul3A_166 : vector<16xf32>
      %swap3A_168 = arith.index_cast %mul3A_129 : i32 to index
      %swap3A_169 = tpu.vector_load %arg15[%swap3A_168] {strides = array<i32>} : memref<1024xf32, #tpu.memory_space<vmem>>, vector<16xf32>,
      tpu.vector_store %arg15[%swap3A_168], %sub3A_167 {strides = array<i32>} : memref<1024xf32, #tpu.memory_space<vmem>>, vector<16xf32>,
    }
    %scan3A_39 = arith.constant 32 : i32
    %dma_wait3A_40 = arith.constant 512 : i32
    %dma_wait3A_41 = tpu.memref_slice %arg15[%dma_wait3A_40] : memref<1024xf32, #tpu.memory_space<vmem>> -> memref<512xf32, #tpu.memory_space<vmem>>
    %dma_wait3A_42 = arith.constant 512 : i32
    %dma_wait3A_43 = tpu.memref_slice %arg12[%dma_wait3A_42] : memref<1024xi32, #tpu.memory_space<vmem>> -> memref<512xi32, #tpu.memory_space<vmem>>
    %dma_wait3A_44 = arith.constant 0 : i32
    %dma_wait3A_45 = tpu.memref_slice %arg4[%dma_wait3A_44] : memref<200000xf32, #tpu.memory_space<hbm>> -> memref<200000xf32, #tpu.memory_space<hbm>>
    tpu.wait_indirect_dma semaphore(%arg21 : memref<!tpu.dma_semaphore, #tpu.memory_space<semaphore_mem>>) src(%dma_wait3A_45 : memref<200000xf32, #tpu.memory_space<hbm>>) dst(%dma_wait3A_41 : memref<512xf32, #tpu.memory_space<vmem>>)
    %scan3A_46 = arith.constant 0 : i32
    %scan3A_47 = arith.constant 32 : i32
    %scan3A_48 = arith.constant 32 : i32
    %scan3A_49 = arith.addi %scan3A_47, %scan3A_48 : i32
    %scan3A_50 = arith.constant 2 : i32
    scf.for %scan3A_90 = %scan3A_47 to %scan3A_49 step %scan3A_50  : i32 {
      %mul3A_91 = arith.constant 16 : i32
      %mul3A_92 = arith.muli %scan3A_90, %mul3A_91 : i32
      %get3A = arith.index_cast %mul3A_92 : i32 to index
      %get3A_93 = tpu.vector_load %arg15[%get3A] {strides = array<i32>} : memref<1024xf32, #tpu.memory_space<vmem>>, vector<16xf32>,
      %min3A = arith.constant 0.000000e+00 : f32
      %min3A_94 = vector.broadcast %min3A : f32 to vector<16xf32>
      %min3A_95 = arith.minimumf %get3A_93, %min3A_94 : vector<16xf32>
      %abs3A = math.absf %get3A_93 : vector<16xf32>
      %neg3A = arith.constant 0.000000e+00 : f32
      %neg3A_96 = vector.broadcast %neg3A : f32 to vector<16xf32>
      %neg3A_97 = arith.subf %neg3A_96, %abs3A : vector<16xf32>
      %exp3A = math.exp %neg3A_97 : vector<16xf32>
      %add3A_98 = arith.constant 2.000000e+00 : f32
      %add3A_99 = vector.broadcast %add3A_98 : f32 to vector<16xf32>
      %add3A_100 = arith.addf %exp3A, %add3A_99 : vector<16xf32>
      %div3A = arith.divf %exp3A, %add3A_100 : vector<16xf32>
      %mul3A_101 = arith.mulf %div3A, %div3A : vector<16xf32>
      %mul3A_102 = arith.constant 0.111111112 : f32
      %mul3A_103 = vector.broadcast %mul3A_102 : f32 to vector<16xf32>
      %mul3A_104 = arith.mulf %mul3A_101, %mul3A_103 : vector<16xf32>
      %add3A_105 = arith.constant 0.142857149 : f32
      %add3A_106 = vector.broadcast %add3A_105 : f32 to vector<16xf32>
      %add3A_107 = arith.addf %add3A_106, %mul3A_104 : vector<16xf32>
      %mul3A_108 = arith.mulf %mul3A_101, %add3A_107 : vector<16xf32>
      %add3A_109 = arith.constant 2.000000e-01 : f32
      %add3A_110 = vector.broadcast %add3A_109 : f32 to vector<16xf32>
      %add3A_111 = arith.addf %add3A_110, %mul3A_108 : vector<16xf32>
      %mul3A_112 = arith.mulf %mul3A_101, %add3A_111 : vector<16xf32>
      %add3A_113 = arith.constant 0.333333343 : f32
      %add3A_114 = vector.broadcast %add3A_113 : f32 to vector<16xf32>
      %add3A_115 = arith.addf %add3A_114, %mul3A_112 : vector<16xf32>
      %mul3A_116 = arith.mulf %mul3A_101, %add3A_115 : vector<16xf32>
      %add3A_117 = arith.constant 1.000000e+00 : f32
      %add3A_118 = vector.broadcast %add3A_117 : f32 to vector<16xf32>
      %add3A_119 = arith.addf %add3A_118, %mul3A_116 : vector<16xf32>
      %mul3A_120 = arith.constant 2.000000e+00 : f32
      %mul3A_121 = vector.broadcast %mul3A_120 : f32 to vector<16xf32>
      %mul3A_122 = arith.mulf %mul3A_121, %div3A : vector<16xf32>
      %mul3A_123 = arith.mulf %mul3A_122, %add3A_119 : vector<16xf32>
      %sub3A = arith.subf %min3A_95, %mul3A_123 : vector<16xf32>
      %swap3A_124 = arith.index_cast %mul3A_92 : i32 to index
      %swap3A_125 = tpu.vector_load %arg15[%swap3A_124] {strides = array<i32>} : memref<1024xf32, #tpu.memory_space<vmem>>, vector<16xf32>,
      tpu.vector_store %arg15[%swap3A_124], %sub3A {strides = array<i32>} : memref<1024xf32, #tpu.memory_space<vmem>>, vector<16xf32>,
      %scan3A_126 = arith.constant 1 : i32
      %scan3A_127 = arith.addi %scan3A_90, %scan3A_126 : i32
      %mul3A_128 = arith.constant 16 : i32
      %mul3A_129 = arith.muli %scan3A_127, %mul3A_128 : i32
      %get3A_130 = arith.index_cast %mul3A_129 : i32 to index
      %get3A_131 = tpu.vector_load %arg15[%get3A_130] {strides = array<i32>} : memref<1024xf32, #tpu.memory_space<vmem>>, vector<16xf32>,
      %min3A_132 = arith.constant 0.000000e+00 : f32
      %min3A_133 = vector.broadcast %min3A_132 : f32 to vector<16xf32>
      %min3A_134 = arith.minimumf %get3A_131, %min3A_133 : vector<16xf32>
      %abs3A_135 = math.absf %get3A_131 : vector<16xf32>
      %neg3A_136 = arith.constant 0.000000e+00 : f32
      %neg3A_137 = vector.broadcast %neg3A_136 : f32 to vector<16xf32>
      %neg3A_138 = arith.subf %neg3A_137, %abs3A_135 : vector<16xf32>
      %exp3A_139 = math.exp %neg3A_138 : vector<16xf32>
      %add3A_140 = arith.constant 2.000000e+00 : f32
      %add3A_141 = vector.broadcast %add3A_140 : f32 to vector<16xf32>
      %add3A_142 = arith.addf %exp3A_139, %add3A_141 : vector<16xf32>
      %div3A_143 = arith.divf %exp3A_139, %add3A_142 : vector<16xf32>
      %mul3A_144 = arith.mulf %div3A_143, %div3A_143 : vector<16xf32>
      %mul3A_145 = arith.constant 0.111111112 : f32
      %mul3A_146 = vector.broadcast %mul3A_145 : f32 to vector<16xf32>
      %mul3A_147 = arith.mulf %mul3A_144, %mul3A_146 : vector<16xf32>
      %add3A_148 = arith.constant 0.142857149 : f32
      %add3A_149 = vector.broadcast %add3A_148 : f32 to vector<16xf32>
      %add3A_150 = arith.addf %add3A_149, %mul3A_147 : vector<16xf32>
      %mul3A_151 = arith.mulf %mul3A_144, %add3A_150 : vector<16xf32>
      %add3A_152 = arith.constant 2.000000e-01 : f32
      %add3A_153 = vector.broadcast %add3A_152 : f32 to vector<16xf32>
      %add3A_154 = arith.addf %add3A_153, %mul3A_151 : vector<16xf32>
      %mul3A_155 = arith.mulf %mul3A_144, %add3A_154 : vector<16xf32>
      %add3A_156 = arith.constant 0.333333343 : f32
      %add3A_157 = vector.broadcast %add3A_156 : f32 to vector<16xf32>
      %add3A_158 = arith.addf %add3A_157, %mul3A_155 : vector<16xf32>
      %mul3A_159 = arith.mulf %mul3A_144, %add3A_158 : vector<16xf32>
      %add3A_160 = arith.constant 1.000000e+00 : f32
      %add3A_161 = vector.broadcast %add3A_160 : f32 to vector<16xf32>
      %add3A_162 = arith.addf %add3A_161, %mul3A_159 : vector<16xf32>
      %mul3A_163 = arith.constant 2.000000e+00 : f32
      %mul3A_164 = vector.broadcast %mul3A_163 : f32 to vector<16xf32>
      %mul3A_165 = arith.mulf %mul3A_164, %div3A_143 : vector<16xf32>
      %mul3A_166 = arith.mulf %mul3A_165, %add3A_162 : vector<16xf32>
      %sub3A_167 = arith.subf %min3A_134, %mul3A_166 : vector<16xf32>
      %swap3A_168 = arith.index_cast %mul3A_129 : i32 to index
      %swap3A_169 = tpu.vector_load %arg15[%swap3A_168] {strides = array<i32>} : memref<1024xf32, #tpu.memory_space<vmem>>, vector<16xf32>,
      tpu.vector_store %arg15[%swap3A_168], %sub3A_167 {strides = array<i32>} : memref<1024xf32, #tpu.memory_space<vmem>>, vector<16xf32>,
    }
    %scan3A_51 = arith.constant 32 : i32
    %dma_wait3A_52 = arith.constant 0 : i32
    %dma_wait3A_53 = tpu.memref_slice %arg5[%dma_wait3A_52] : memref<400000xf32, #tpu.memory_space<hbm>> -> memref<400000xf32, #tpu.memory_space<hbm>>
    tpu.wait_indirect_dma semaphore(%arg21 : memref<!tpu.dma_semaphore, #tpu.memory_space<semaphore_mem>>) src(%dma_wait3A_53 : memref<400000xf32, #tpu.memory_space<hbm>>) dst(%arg16 : memref<2048xf32, #tpu.memory_space<vmem>>)
    tpu.wait_dma2 semaphore(%arg22 : memref<!tpu.dma_semaphore, #tpu.memory_space<semaphore_mem>>) src(%arg6 : memref<4000xf32, #tpu.memory_space<hbm>>) dst(%arg14 : memref<4000xf32, #tpu.memory_space<vmem>>)
    %broadcast_in_dim3A = arith.constant 0.000000e+00 : f32
    %broadcast_in_dim3A_54 = vector.broadcast %broadcast_in_dim3A : f32 to vector<16xf32>
    %scan3A_55 = arith.constant 0 : i32
    %scan3A_56 = arith.constant 32 : i32
    %scan3A_57 = arith.addi %scan3A_55, %scan3A_56 : i32
    %scan3A_58 = arith.constant 2 : i32
    %scan3A_59:2 = scf.for %scan3A_90 = %scan3A_55 to %scan3A_57 step %scan3A_58 iter_args(%scan3A_91 = %broadcast_in_dim3A_54, %scan3A_92 = %broadcast_in_dim3A_54) -> (vector<16xf32>, vector<16xf32>)  : i32 {
      %jit3A = arith.constant 8 : i32
      %div3A = arith.divsi %scan3A_90, %jit3A : i32
      %sign3A = arith.constant 0 : i32
      %sign3A_93 = arith.cmpi sgt, %scan3A_90, %sign3A : i32
      %sign3A_94 = arith.extui %sign3A_93 : i1 to i32
      %sign3A_95 = arith.constant 0 : i32
      %sign3A_96 = arith.cmpi slt, %scan3A_90, %sign3A_95 : i32
      %sign3A_97 = arith.extui %sign3A_96 : i1 to i32
      %sign3A_98 = arith.subi %sign3A_94, %sign3A_97 : i32
      %sign3A_99 = arith.constant 0 : i32
      %sign3A_100 = arith.cmpi sgt, %jit3A, %sign3A_99 : i32
      %sign3A_101 = arith.extui %sign3A_100 : i1 to i32
      %sign3A_102 = arith.constant 0 : i32
      %sign3A_103 = arith.cmpi slt, %jit3A, %sign3A_102 : i32
      %sign3A_104 = arith.extui %sign3A_103 : i1 to i32
      %sign3A_105 = arith.subi %sign3A_101, %sign3A_104 : i32
      %ne3A = arith.cmpi ne, %sign3A_98, %sign3A_105 : i32
      %rem3A = arith.remsi %scan3A_90, %jit3A : i32
      %ne3A_106 = arith.constant 0 : i32
      %ne3A_107 = arith.cmpi ne, %rem3A, %ne3A_106 : i32
      %and3A = arith.andi %ne3A, %ne3A_107 : i1
      %sub3A = arith.constant 1 : i32
      %sub3A_108 = arith.subi %div3A, %sub3A : i32
      %select_n3A = arith.select %and3A, %sub3A_108, %div3A : i32
      %mul3A_109 = arith.constant 8 : i32
      %mul3A_110 = arith.muli %select_n3A, %mul3A_109 : i32
      %sub3A_111 = arith.subi %scan3A_90, %mul3A_110 : i32
      %mul3A_112 = arith.constant 256 : i32
      %mul3A_113 = arith.muli %select_n3A, %mul3A_112 : i32
      %mul3A_114 = arith.constant 16 : i32
      %mul3A_115 = arith.muli %sub3A_111, %mul3A_114 : i32
      %add3A_116 = arith.addi %mul3A_113, %mul3A_115 : i32
      %add3A_117 = arith.constant 128 : i32
      %add3A_118 = arith.addi %add3A_116, %add3A_117 : i32
      %add3A_119 = arith.constant 1024 : i32
      %add3A_120 = arith.addi %add3A_116, %add3A_119 : i32
      %add3A_121 = arith.constant 1152 : i32
      %add3A_122 = arith.addi %add3A_116, %add3A_121 : i32
      %get3A = arith.index_cast %add3A_116 : i32 to index
      %get3A_123 = tpu.vector_load %arg16[%get3A] {strides = array<i32>} : memref<2048xf32, #tpu.memory_space<vmem>>, vector<16xf32>,
      %get3A_124 = arith.index_cast %add3A_118 : i32 to index
      %get3A_125 = tpu.vector_load %arg16[%get3A_124] {strides = array<i32>} : memref<2048xf32, #tpu.memory_space<vmem>>, vector<16xf32>,
      %get3A_126 = arith.index_cast %add3A_120 : i32 to index
      %get3A_127 = tpu.vector_load %arg16[%get3A_126] {strides = array<i32>} : memref<2048xf32, #tpu.memory_space<vmem>>, vector<16xf32>,
      %get3A_128 = arith.index_cast %add3A_122 : i32 to index
      %get3A_129 = tpu.vector_load %arg16[%get3A_128] {strides = array<i32>} : memref<2048xf32, #tpu.memory_space<vmem>>, vector<16xf32>,
      %mul3A_130 = arith.constant 16 : i32
      %mul3A_131 = arith.muli %scan3A_90, %mul3A_130 : i32
      %get3A_132 = arith.index_cast %mul3A_131 : i32 to index
      %get3A_133 = tpu.vector_load %arg11[%get3A_132] {strides = array<i32>} : memref<512xi32, #tpu.memory_space<vmem>>, vector<16xi32>,
      %gather3A = tpu.vector_load_idx %arg14[%get3A_133] : memref<4000xf32, #tpu.memory_space<vmem>>[vector<16xi32>], vector<16xf32>,
      %add3A_134 = arith.constant 1000 : i32
      %add3A_135 = vector.broadcast %add3A_134 : i32 to vector<16xi32>
      %add3A_136 = arith.addi %get3A_133, %add3A_135 : vector<16xi32>
      %gather3A_137 = tpu.vector_load_idx %arg14[%add3A_136] : memref<4000xf32, #tpu.memory_space<vmem>>[vector<16xi32>], vector<16xf32>,
      %add3A_138 = arith.constant 2000 : i32
      %add3A_139 = vector.broadcast %add3A_138 : i32 to vector<16xi32>
      %add3A_140 = arith.addi %get3A_133, %add3A_139 : vector<16xi32>
      %gather3A_141 = tpu.vector_load_idx %arg14[%add3A_140] : memref<4000xf32, #tpu.memory_space<vmem>>[vector<16xi32>], vector<16xf32>,
      %add3A_142 = arith.constant 3000 : i32
      %add3A_143 = vector.broadcast %add3A_142 : i32 to vector<16xi32>
      %add3A_144 = arith.addi %get3A_133, %add3A_143 : vector<16xi32>
      %gather3A_145 = tpu.vector_load_idx %arg14[%add3A_144] : memref<4000xf32, #tpu.memory_space<vmem>>[vector<16xi32>], vector<16xf32>,
      %mul3A_146 = arith.mulf %get3A_123, %get3A_123 : vector<16xf32>
      %add3A_147 = arith.addf %scan3A_91, %mul3A_146 : vector<16xf32>
      %mul3A_148 = arith.mulf %get3A_125, %get3A_125 : vector<16xf32>
      %add3A_149 = arith.addf %add3A_147, %mul3A_148 : vector<16xf32>
      %mul3A_150 = arith.mulf %get3A_127, %get3A_127 : vector<16xf32>
      %add3A_151 = arith.addf %add3A_149, %mul3A_150 : vector<16xf32>
      %mul3A_152 = arith.mulf %get3A_129, %get3A_129 : vector<16xf32>
      %add3A_153 = arith.addf %add3A_151, %mul3A_152 : vector<16xf32>
      %mul3A_154 = arith.mulf %gather3A, %gather3A : vector<16xf32>
      %add3A_155 = arith.addf %scan3A_92, %mul3A_154 : vector<16xf32>
      %mul3A_156 = arith.mulf %gather3A_137, %gather3A_137 : vector<16xf32>
      %add3A_157 = arith.addf %add3A_155, %mul3A_156 : vector<16xf32>
      %mul3A_158 = arith.mulf %gather3A_141, %gather3A_141 : vector<16xf32>
      %add3A_159 = arith.addf %add3A_157, %mul3A_158 : vector<16xf32>
      %mul3A_160 = arith.mulf %gather3A_145, %gather3A_145 : vector<16xf32>
      %add3A_161 = arith.addf %add3A_159, %mul3A_160 : vector<16xf32>
      %add3A_162 = arith.addf %get3A_123, %gather3A : vector<16xf32>
      %add3A_163 = arith.addf %get3A_125, %gather3A_137 : vector<16xf32>
      %add3A_164 = arith.addf %get3A_127, %gather3A_141 : vector<16xf32>
      %add3A_165 = arith.addf %get3A_129, %gather3A_145 : vector<16xf32>
      %max3A = arith.maximumf %add3A_162, %add3A_163 : vector<16xf32>
      %min3A = arith.minimumf %add3A_162, %add3A_163 : vector<16xf32>
      %sub3A_166 = arith.subf %min3A, %max3A : vector<16xf32>
      %exp3A = math.exp %sub3A_166 : vector<16xf32>
      %add3A_167 = arith.constant 2.000000e+00 : f32
      %add3A_168 = vector.broadcast %add3A_167 : f32 to vector<16xf32>
      %add3A_169 = arith.addf %exp3A, %add3A_168 : vector<16xf32>
      %div3A_170 = arith.divf %exp3A, %add3A_169 : vector<16xf32>
      %mul3A_171 = arith.mulf %div3A_170, %div3A_170 : vector<16xf32>
      %mul3A_172 = arith.constant 0.111111112 : f32
      %mul3A_173 = vector.broadcast %mul3A_172 : f32 to vector<16xf32>
      %mul3A_174 = arith.mulf %mul3A_171, %mul3A_173 : vector<16xf32>
      %add3A_175 = arith.constant 0.142857149 : f32
      %add3A_176 = vector.broadcast %add3A_175 : f32 to vector<16xf32>
      %add3A_177 = arith.addf %add3A_176, %mul3A_174 : vector<16xf32>
      %mul3A_178 = arith.mulf %mul3A_171, %add3A_177 : vector<16xf32>
      %add3A_179 = arith.constant 2.000000e-01 : f32
      %add3A_180 = vector.broadcast %add3A_179 : f32 to vector<16xf32>
      %add3A_181 = arith.addf %add3A_180, %mul3A_178 : vector<16xf32>
      %mul3A_182 = arith.mulf %mul3A_171, %add3A_181 : vector<16xf32>
      %add3A_183 = arith.constant 0.333333343 : f32
      %add3A_184 = vector.broadcast %add3A_183 : f32 to vector<16xf32>
      %add3A_185 = arith.addf %add3A_184, %mul3A_182 : vector<16xf32>
      %mul3A_186 = arith.mulf %mul3A_171, %add3A_185 : vector<16xf32>
      %add3A_187 = arith.constant 1.000000e+00 : f32
      %add3A_188 = vector.broadcast %add3A_187 : f32 to vector<16xf32>
      %add3A_189 = arith.addf %add3A_188, %mul3A_186 : vector<16xf32>
      %mul3A_190 = arith.constant 2.000000e+00 : f32
      %mul3A_191 = vector.broadcast %mul3A_190 : f32 to vector<16xf32>
      %mul3A_192 = arith.mulf %mul3A_191, %div3A_170 : vector<16xf32>
      %mul3A_193 = arith.mulf %mul3A_192, %add3A_189 : vector<16xf32>
      %add3A_194 = arith.addf %max3A, %mul3A_193 : vector<16xf32>
      %max3A_195 = arith.maximumf %add3A_164, %add3A_165 : vector<16xf32>
      %min3A_196 = arith.minimumf %add3A_164, %add3A_165 : vector<16xf32>
      %sub3A_197 = arith.subf %min3A_196, %max3A_195 : vector<16xf32>
      %exp3A_198 = math.exp %sub3A_197 : vector<16xf32>
      %add3A_199 = arith.constant 2.000000e+00 : f32
      %add3A_200 = vector.broadcast %add3A_199 : f32 to vector<16xf32>
      %add3A_201 = arith.addf %exp3A_198, %add3A_200 : vector<16xf32>
      %div3A_202 = arith.divf %exp3A_198, %add3A_201 : vector<16xf32>
      %mul3A_203 = arith.mulf %div3A_202, %div3A_202 : vector<16xf32>
      %mul3A_204 = arith.constant 0.111111112 : f32
      %mul3A_205 = vector.broadcast %mul3A_204 : f32 to vector<16xf32>
      %mul3A_206 = arith.mulf %mul3A_203, %mul3A_205 : vector<16xf32>
      %add3A_207 = arith.constant 0.142857149 : f32
      %add3A_208 = vector.broadcast %add3A_207 : f32 to vector<16xf32>
      %add3A_209 = arith.addf %add3A_208, %mul3A_206 : vector<16xf32>
      %mul3A_210 = arith.mulf %mul3A_203, %add3A_209 : vector<16xf32>
      %add3A_211 = arith.constant 2.000000e-01 : f32
      %add3A_212 = vector.broadcast %add3A_211 : f32 to vector<16xf32>
      %add3A_213 = arith.addf %add3A_212, %mul3A_210 : vector<16xf32>
      %mul3A_214 = arith.mulf %mul3A_203, %add3A_213 : vector<16xf32>
      %add3A_215 = arith.constant 0.333333343 : f32
      %add3A_216 = vector.broadcast %add3A_215 : f32 to vector<16xf32>
      %add3A_217 = arith.addf %add3A_216, %mul3A_214 : vector<16xf32>
      %mul3A_218 = arith.mulf %mul3A_203, %add3A_217 : vector<16xf32>
      %add3A_219 = arith.constant 1.000000e+00 : f32
      %add3A_220 = vector.broadcast %add3A_219 : f32 to vector<16xf32>
      %add3A_221 = arith.addf %add3A_220, %mul3A_218 : vector<16xf32>
      %mul3A_222 = arith.constant 2.000000e+00 : f32
      %mul3A_223 = vector.broadcast %mul3A_222 : f32 to vector<16xf32>
      %mul3A_224 = arith.mulf %mul3A_223, %div3A_202 : vector<16xf32>
      %mul3A_225 = arith.mulf %mul3A_224, %add3A_221 : vector<16xf32>
      %add3A_226 = arith.addf %max3A_195, %mul3A_225 : vector<16xf32>
      %sub3A_227 = arith.subf %add3A_162, %add3A_194 : vector<16xf32>
      %swap3A_228 = arith.index_cast %add3A_116 : i32 to index
      %swap3A_229 = tpu.vector_load %arg16[%swap3A_228] {strides = array<i32>} : memref<2048xf32, #tpu.memory_space<vmem>>, vector<16xf32>,
      tpu.vector_store %arg16[%swap3A_228], %sub3A_227 {strides = array<i32>} : memref<2048xf32, #tpu.memory_space<vmem>>, vector<16xf32>,
      %sub3A_230 = arith.subf %add3A_163, %add3A_194 : vector<16xf32>
      %swap3A_231 = arith.index_cast %add3A_118 : i32 to index
      %swap3A_232 = tpu.vector_load %arg16[%swap3A_231] {strides = array<i32>} : memref<2048xf32, #tpu.memory_space<vmem>>, vector<16xf32>,
      tpu.vector_store %arg16[%swap3A_231], %sub3A_230 {strides = array<i32>} : memref<2048xf32, #tpu.memory_space<vmem>>, vector<16xf32>,
      %sub3A_233 = arith.subf %add3A_164, %add3A_226 : vector<16xf32>
      %swap3A_234 = arith.index_cast %add3A_120 : i32 to index
      %swap3A_235 = tpu.vector_load %arg16[%swap3A_234] {strides = array<i32>} : memref<2048xf32, #tpu.memory_space<vmem>>, vector<16xf32>,
      tpu.vector_store %arg16[%swap3A_234], %sub3A_233 {strides = array<i32>} : memref<2048xf32, #tpu.memory_space<vmem>>, vector<16xf32>,
      %sub3A_236 = arith.subf %add3A_165, %add3A_226 : vector<16xf32>
      %swap3A_237 = arith.index_cast %add3A_122 : i32 to index
      %swap3A_238 = tpu.vector_load %arg16[%swap3A_237] {strides = array<i32>} : memref<2048xf32, #tpu.memory_space<vmem>>, vector<16xf32>,
      tpu.vector_store %arg16[%swap3A_237], %sub3A_236 {strides = array<i32>} : memref<2048xf32, #tpu.memory_space<vmem>>, vector<16xf32>,
      %scan3A_239 = arith.constant 1 : i32
      %scan3A_240 = arith.addi %scan3A_90, %scan3A_239 : i32
      %jit3A_241 = arith.constant 8 : i32
      %div3A_242 = arith.divsi %scan3A_240, %jit3A_241 : i32
      %sign3A_243 = arith.constant 0 : i32
      %sign3A_244 = arith.cmpi sgt, %scan3A_240, %sign3A_243 : i32
      %sign3A_245 = arith.extui %sign3A_244 : i1 to i32
      %sign3A_246 = arith.constant 0 : i32
      %sign3A_247 = arith.cmpi slt, %scan3A_240, %sign3A_246 : i32
      %sign3A_248 = arith.extui %sign3A_247 : i1 to i32
      %sign3A_249 = arith.subi %sign3A_245, %sign3A_248 : i32
      %sign3A_250 = arith.constant 0 : i32
      %sign3A_251 = arith.cmpi sgt, %jit3A_241, %sign3A_250 : i32
      %sign3A_252 = arith.extui %sign3A_251 : i1 to i32
      %sign3A_253 = arith.constant 0 : i32
      %sign3A_254 = arith.cmpi slt, %jit3A_241, %sign3A_253 : i32
      %sign3A_255 = arith.extui %sign3A_254 : i1 to i32
      %sign3A_256 = arith.subi %sign3A_252, %sign3A_255 : i32
      %ne3A_257 = arith.cmpi ne, %sign3A_249, %sign3A_256 : i32
      %rem3A_258 = arith.remsi %scan3A_240, %jit3A_241 : i32
      %ne3A_259 = arith.constant 0 : i32
      %ne3A_260 = arith.cmpi ne, %rem3A_258, %ne3A_259 : i32
      %and3A_261 = arith.andi %ne3A_257, %ne3A_260 : i1
      %sub3A_262 = arith.constant 1 : i32
      %sub3A_263 = arith.subi %div3A_242, %sub3A_262 : i32
      %select_n3A_264 = arith.select %and3A_261, %sub3A_263, %div3A_242 : i32
      %mul3A_265 = arith.constant 8 : i32
      %mul3A_266 = arith.muli %select_n3A_264, %mul3A_265 : i32
      %sub3A_267 = arith.subi %scan3A_240, %mul3A_266 : i32
      %mul3A_268 = arith.constant 256 : i32
      %mul3A_269 = arith.muli %select_n3A_264, %mul3A_268 : i32
      %mul3A_270 = arith.constant 16 : i32
      %mul3A_271 = arith.muli %sub3A_267, %mul3A_270 : i32
      %add3A_272 = arith.addi %mul3A_269, %mul3A_271 : i32
      %add3A_273 = arith.constant 128 : i32
      %add3A_274 = arith.addi %add3A_272, %add3A_273 : i32
      %add3A_275 = arith.constant 1024 : i32
      %add3A_276 = arith.addi %add3A_272, %add3A_275 : i32
      %add3A_277 = arith.constant 1152 : i32
      %add3A_278 = arith.addi %add3A_272, %add3A_277 : i32
      %get3A_279 = arith.index_cast %add3A_272 : i32 to index
      %get3A_280 = tpu.vector_load %arg16[%get3A_279] {strides = array<i32>} : memref<2048xf32, #tpu.memory_space<vmem>>, vector<16xf32>,
      %get3A_281 = arith.index_cast %add3A_274 : i32 to index
      %get3A_282 = tpu.vector_load %arg16[%get3A_281] {strides = array<i32>} : memref<2048xf32, #tpu.memory_space<vmem>>, vector<16xf32>,
      %get3A_283 = arith.index_cast %add3A_276 : i32 to index
      %get3A_284 = tpu.vector_load %arg16[%get3A_283] {strides = array<i32>} : memref<2048xf32, #tpu.memory_space<vmem>>, vector<16xf32>,
      %get3A_285 = arith.index_cast %add3A_278 : i32 to index
      %get3A_286 = tpu.vector_load %arg16[%get3A_285] {strides = array<i32>} : memref<2048xf32, #tpu.memory_space<vmem>>, vector<16xf32>,
      %mul3A_287 = arith.constant 16 : i32
      %mul3A_288 = arith.muli %scan3A_240, %mul3A_287 : i32
      %get3A_289 = arith.index_cast %mul3A_288 : i32 to index
      %get3A_290 = tpu.vector_load %arg11[%get3A_289] {strides = array<i32>} : memref<512xi32, #tpu.memory_space<vmem>>, vector<16xi32>,
      %gather3A_291 = tpu.vector_load_idx %arg14[%get3A_290] : memref<4000xf32, #tpu.memory_space<vmem>>[vector<16xi32>], vector<16xf32>,
      %add3A_292 = arith.constant 1000 : i32
      %add3A_293 = vector.broadcast %add3A_292 : i32 to vector<16xi32>
      %add3A_294 = arith.addi %get3A_290, %add3A_293 : vector<16xi32>
      %gather3A_295 = tpu.vector_load_idx %arg14[%add3A_294] : memref<4000xf32, #tpu.memory_space<vmem>>[vector<16xi32>], vector<16xf32>,
      %add3A_296 = arith.constant 2000 : i32
      %add3A_297 = vector.broadcast %add3A_296 : i32 to vector<16xi32>
      %add3A_298 = arith.addi %get3A_290, %add3A_297 : vector<16xi32>
      %gather3A_299 = tpu.vector_load_idx %arg14[%add3A_298] : memref<4000xf32, #tpu.memory_space<vmem>>[vector<16xi32>], vector<16xf32>,
      %add3A_300 = arith.constant 3000 : i32
      %add3A_301 = vector.broadcast %add3A_300 : i32 to vector<16xi32>
      %add3A_302 = arith.addi %get3A_290, %add3A_301 : vector<16xi32>
      %gather3A_303 = tpu.vector_load_idx %arg14[%add3A_302] : memref<4000xf32, #tpu.memory_space<vmem>>[vector<16xi32>], vector<16xf32>,
      %mul3A_304 = arith.mulf %get3A_280, %get3A_280 : vector<16xf32>
      %add3A_305 = arith.addf %add3A_153, %mul3A_304 : vector<16xf32>
      %mul3A_306 = arith.mulf %get3A_282, %get3A_282 : vector<16xf32>
      %add3A_307 = arith.addf %add3A_305, %mul3A_306 : vector<16xf32>
      %mul3A_308 = arith.mulf %get3A_284, %get3A_284 : vector<16xf32>
      %add3A_309 = arith.addf %add3A_307, %mul3A_308 : vector<16xf32>
      %mul3A_310 = arith.mulf %get3A_286, %get3A_286 : vector<16xf32>
      %add3A_311 = arith.addf %add3A_309, %mul3A_310 : vector<16xf32>
      %mul3A_312 = arith.mulf %gather3A_291, %gather3A_291 : vector<16xf32>
      %add3A_313 = arith.addf %add3A_161, %mul3A_312 : vector<16xf32>
      %mul3A_314 = arith.mulf %gather3A_295, %gather3A_295 : vector<16xf32>
      %add3A_315 = arith.addf %add3A_313, %mul3A_314 : vector<16xf32>
      %mul3A_316 = arith.mulf %gather3A_299, %gather3A_299 : vector<16xf32>
      %add3A_317 = arith.addf %add3A_315, %mul3A_316 : vector<16xf32>
      %mul3A_318 = arith.mulf %gather3A_303, %gather3A_303 : vector<16xf32>
      %add3A_319 = arith.addf %add3A_317, %mul3A_318 : vector<16xf32>
      %add3A_320 = arith.addf %get3A_280, %gather3A_291 : vector<16xf32>
      %add3A_321 = arith.addf %get3A_282, %gather3A_295 : vector<16xf32>
      %add3A_322 = arith.addf %get3A_284, %gather3A_299 : vector<16xf32>
      %add3A_323 = arith.addf %get3A_286, %gather3A_303 : vector<16xf32>
      %max3A_324 = arith.maximumf %add3A_320, %add3A_321 : vector<16xf32>
      %min3A_325 = arith.minimumf %add3A_320, %add3A_321 : vector<16xf32>
      %sub3A_326 = arith.subf %min3A_325, %max3A_324 : vector<16xf32>
      %exp3A_327 = math.exp %sub3A_326 : vector<16xf32>
      %add3A_328 = arith.constant 2.000000e+00 : f32
      %add3A_329 = vector.broadcast %add3A_328 : f32 to vector<16xf32>
      %add3A_330 = arith.addf %exp3A_327, %add3A_329 : vector<16xf32>
      %div3A_331 = arith.divf %exp3A_327, %add3A_330 : vector<16xf32>
      %mul3A_332 = arith.mulf %div3A_331, %div3A_331 : vector<16xf32>
      %mul3A_333 = arith.constant 0.111111112 : f32
      %mul3A_334 = vector.broadcast %mul3A_333 : f32 to vector<16xf32>
      %mul3A_335 = arith.mulf %mul3A_332, %mul3A_334 : vector<16xf32>
      %add3A_336 = arith.constant 0.142857149 : f32
      %add3A_337 = vector.broadcast %add3A_336 : f32 to vector<16xf32>
      %add3A_338 = arith.addf %add3A_337, %mul3A_335 : vector<16xf32>
      %mul3A_339 = arith.mulf %mul3A_332, %add3A_338 : vector<16xf32>
      %add3A_340 = arith.constant 2.000000e-01 : f32
      %add3A_341 = vector.broadcast %add3A_340 : f32 to vector<16xf32>
      %add3A_342 = arith.addf %add3A_341, %mul3A_339 : vector<16xf32>
      %mul3A_343 = arith.mulf %mul3A_332, %add3A_342 : vector<16xf32>
      %add3A_344 = arith.constant 0.333333343 : f32
      %add3A_345 = vector.broadcast %add3A_344 : f32 to vector<16xf32>
      %add3A_346 = arith.addf %add3A_345, %mul3A_343 : vector<16xf32>
      %mul3A_347 = arith.mulf %mul3A_332, %add3A_346 : vector<16xf32>
      %add3A_348 = arith.constant 1.000000e+00 : f32
      %add3A_349 = vector.broadcast %add3A_348 : f32 to vector<16xf32>
      %add3A_350 = arith.addf %add3A_349, %mul3A_347 : vector<16xf32>
      %mul3A_351 = arith.constant 2.000000e+00 : f32
      %mul3A_352 = vector.broadcast %mul3A_351 : f32 to vector<16xf32>
      %mul3A_353 = arith.mulf %mul3A_352, %div3A_331 : vector<16xf32>
      %mul3A_354 = arith.mulf %mul3A_353, %add3A_350 : vector<16xf32>
      %add3A_355 = arith.addf %max3A_324, %mul3A_354 : vector<16xf32>
      %max3A_356 = arith.maximumf %add3A_322, %add3A_323 : vector<16xf32>
      %min3A_357 = arith.minimumf %add3A_322, %add3A_323 : vector<16xf32>
      %sub3A_358 = arith.subf %min3A_357, %max3A_356 : vector<16xf32>
      %exp3A_359 = math.exp %sub3A_358 : vector<16xf32>
      %add3A_360 = arith.constant 2.000000e+00 : f32
      %add3A_361 = vector.broadcast %add3A_360 : f32 to vector<16xf32>
      %add3A_362 = arith.addf %exp3A_359, %add3A_361 : vector<16xf32>
      %div3A_363 = arith.divf %exp3A_359, %add3A_362 : vector<16xf32>
      %mul3A_364 = arith.mulf %div3A_363, %div3A_363 : vector<16xf32>
      %mul3A_365 = arith.constant 0.111111112 : f32
      %mul3A_366 = vector.broadcast %mul3A_365 : f32 to vector<16xf32>
      %mul3A_367 = arith.mulf %mul3A_364, %mul3A_366 : vector<16xf32>
      %add3A_368 = arith.constant 0.142857149 : f32
      %add3A_369 = vector.broadcast %add3A_368 : f32 to vector<16xf32>
      %add3A_370 = arith.addf %add3A_369, %mul3A_367 : vector<16xf32>
      %mul3A_371 = arith.mulf %mul3A_364, %add3A_370 : vector<16xf32>
      %add3A_372 = arith.constant 2.000000e-01 : f32
      %add3A_373 = vector.broadcast %add3A_372 : f32 to vector<16xf32>
      %add3A_374 = arith.addf %add3A_373, %mul3A_371 : vector<16xf32>
      %mul3A_375 = arith.mulf %mul3A_364, %add3A_374 : vector<16xf32>
      %add3A_376 = arith.constant 0.333333343 : f32
      %add3A_377 = vector.broadcast %add3A_376 : f32 to vector<16xf32>
      %add3A_378 = arith.addf %add3A_377, %mul3A_375 : vector<16xf32>
      %mul3A_379 = arith.mulf %mul3A_364, %add3A_378 : vector<16xf32>
      %add3A_380 = arith.constant 1.000000e+00 : f32
      %add3A_381 = vector.broadcast %add3A_380 : f32 to vector<16xf32>
      %add3A_382 = arith.addf %add3A_381, %mul3A_379 : vector<16xf32>
      %mul3A_383 = arith.constant 2.000000e+00 : f32
      %mul3A_384 = vector.broadcast %mul3A_383 : f32 to vector<16xf32>
      %mul3A_385 = arith.mulf %mul3A_384, %div3A_363 : vector<16xf32>
      %mul3A_386 = arith.mulf %mul3A_385, %add3A_382 : vector<16xf32>
      %add3A_387 = arith.addf %max3A_356, %mul3A_386 : vector<16xf32>
      %sub3A_388 = arith.subf %add3A_320, %add3A_355 : vector<16xf32>
      %swap3A_389 = arith.index_cast %add3A_272 : i32 to index
      %swap3A_390 = tpu.vector_load %arg16[%swap3A_389] {strides = array<i32>} : memref<2048xf32, #tpu.memory_space<vmem>>, vector<16xf32>,
      tpu.vector_store %arg16[%swap3A_389], %sub3A_388 {strides = array<i32>} : memref<2048xf32, #tpu.memory_space<vmem>>, vector<16xf32>,
      %sub3A_391 = arith.subf %add3A_321, %add3A_355 : vector<16xf32>
      %swap3A_392 = arith.index_cast %add3A_274 : i32 to index
      %swap3A_393 = tpu.vector_load %arg16[%swap3A_392] {strides = array<i32>} : memref<2048xf32, #tpu.memory_space<vmem>>, vector<16xf32>,
      tpu.vector_store %arg16[%swap3A_392], %sub3A_391 {strides = array<i32>} : memref<2048xf32, #tpu.memory_space<vmem>>, vector<16xf32>,
      %sub3A_394 = arith.subf %add3A_322, %add3A_387 : vector<16xf32>
      %swap3A_395 = arith.index_cast %add3A_276 : i32 to index
      %swap3A_396 = tpu.vector_load %arg16[%swap3A_395] {strides = array<i32>} : memref<2048xf32, #tpu.memory_space<vmem>>, vector<16xf32>,
      tpu.vector_store %arg16[%swap3A_395], %sub3A_394 {strides = array<i32>} : memref<2048xf32, #tpu.memory_space<vmem>>, vector<16xf32>,
      %sub3A_397 = arith.subf %add3A_323, %add3A_387 : vector<16xf32>
      %swap3A_398 = arith.index_cast %add3A_278 : i32 to index
      %swap3A_399 = tpu.vector_load %arg16[%swap3A_398] {strides = array<i32>} : memref<2048xf32, #tpu.memory_space<vmem>>, vector<16xf32>,
      tpu.vector_store %arg16[%swap3A_398], %sub3A_397 {strides = array<i32>} : memref<2048xf32, #tpu.memory_space<vmem>>, vector<16xf32>,
      scf.yield %add3A_311, %add3A_319 : vector<16xf32>, vector<16xf32>
    }
    %scan3A_60 = arith.constant 32 : i32
    %mul3A_61 = arith.constant 2 : i32
    %mul3A_62 = arith.muli %add3A, %mul3A_61 : i32
    %mul3A_63 = arith.constant 512 : i32
    %mul3A_64 = arith.muli %mul3A_62, %mul3A_63 : i32
    "tpu.region"() ({
      %run_scoped3A = tpu.sem_alloc : memref<!tpu.dma_semaphore, #tpu.memory_space<semaphore_mem>>
      %dma_start3A_90 = tpu.memref_slice %arg7[%mul3A_64] : memref<32768xf32, #tpu.memory_space<hbm>> -> memref<1024xf32, #tpu.memory_space<hbm>>
      %dma_start3A_91 = tpu.memref_slice %arg7[%mul3A_64] : memref<32768xf32, #tpu.memory_space<hbm>> -> memref<1024xf32, #tpu.memory_space<hbm>>
      tpu.enqueue_dma source(%arg15 : memref<1024xf32, #tpu.memory_space<vmem>>) target(%dma_start3A_91 : memref<1024xf32, #tpu.memory_space<hbm>>) target_semaphore(%run_scoped3A : memref<!tpu.dma_semaphore, #tpu.memory_space<semaphore_mem>>)
      %dma_wait3A_92 = tpu.memref_slice %arg7[%mul3A_64] : memref<32768xf32, #tpu.memory_space<hbm>> -> memref<1024xf32, #tpu.memory_space<hbm>>
      %dma_wait3A_93 = tpu.memref_slice %arg7[%mul3A_64] : memref<32768xf32, #tpu.memory_space<hbm>> -> memref<1024xf32, #tpu.memory_space<hbm>>
      tpu.wait_dma2 semaphore(%run_scoped3A : memref<!tpu.dma_semaphore, #tpu.memory_space<semaphore_mem>>) src(%arg15 : memref<1024xf32, #tpu.memory_space<vmem>>) dst(%dma_wait3A_93 : memref<1024xf32, #tpu.memory_space<hbm>>)
      tpu.yield
    }) : () -> ()
    %mul3A_65 = arith.constant 2 : i32
    %mul3A_66 = arith.muli %add3A, %mul3A_65 : i32
    %mul3A_67 = arith.constant 512 : i32
    %mul3A_68 = arith.muli %mul3A_66, %mul3A_67 : i32
    "tpu.region"() ({
      %run_scoped3A = tpu.sem_alloc : memref<!tpu.dma_semaphore, #tpu.memory_space<semaphore_mem>>
      %dma_start3A_90 = arith.constant 0 : i32
      %dma_start3A_91 = tpu.memref_slice %arg16[%dma_start3A_90] : memref<2048xf32, #tpu.memory_space<vmem>> -> memref<1024xf32, #tpu.memory_space<vmem>>
      %dma_start3A_92 = tpu.memref_slice %arg8[%mul3A_68] : memref<65536xf32, #tpu.memory_space<hbm>> -> memref<1024xf32, #tpu.memory_space<hbm>>
      %dma_start3A_93 = tpu.memref_slice %arg8[%mul3A_68] : memref<65536xf32, #tpu.memory_space<hbm>> -> memref<1024xf32, #tpu.memory_space<hbm>>
      %dma_start3A_94 = arith.constant 0 : i32
      %dma_start3A_95 = tpu.memref_slice %arg16[%dma_start3A_94] : memref<2048xf32, #tpu.memory_space<vmem>> -> memref<1024xf32, #tpu.memory_space<vmem>>
      tpu.enqueue_dma source(%dma_start3A_95 : memref<1024xf32, #tpu.memory_space<vmem>>) target(%dma_start3A_93 : memref<1024xf32, #tpu.memory_space<hbm>>) target_semaphore(%run_scoped3A : memref<!tpu.dma_semaphore, #tpu.memory_space<semaphore_mem>>)
      %dma_wait3A_96 = arith.constant 0 : i32
      %dma_wait3A_97 = tpu.memref_slice %arg16[%dma_wait3A_96] : memref<2048xf32, #tpu.memory_space<vmem>> -> memref<1024xf32, #tpu.memory_space<vmem>>
      %dma_wait3A_98 = tpu.memref_slice %arg8[%mul3A_68] : memref<65536xf32, #tpu.memory_space<hbm>> -> memref<1024xf32, #tpu.memory_space<hbm>>
      %dma_wait3A_99 = tpu.memref_slice %arg8[%mul3A_68] : memref<65536xf32, #tpu.memory_space<hbm>> -> memref<1024xf32, #tpu.memory_space<hbm>>
      %dma_wait3A_100 = arith.constant 0 : i32
      %dma_wait3A_101 = tpu.memref_slice %arg16[%dma_wait3A_100] : memref<2048xf32, #tpu.memory_space<vmem>> -> memref<1024xf32, #tpu.memory_space<vmem>>
      tpu.wait_dma2 semaphore(%run_scoped3A : memref<!tpu.dma_semaphore, #tpu.memory_space<semaphore_mem>>) src(%dma_wait3A_101 : memref<1024xf32, #tpu.memory_space<vmem>>) dst(%dma_wait3A_99 : memref<1024xf32, #tpu.memory_space<hbm>>)
      tpu.yield
    }) : () -> ()
    %mul3A_69 = arith.constant 2 : i32
    %mul3A_70 = arith.muli %add3A, %mul3A_69 : i32
    %mul3A_71 = arith.constant 512 : i32
    %mul3A_72 = arith.muli %mul3A_70, %mul3A_71 : i32
    %add3A_73 = arith.constant 32768 : i32
    %add3A_74 = arith.addi %add3A_73, %mul3A_72 : i32
    "tpu.region"() ({
      %run_scoped3A = tpu.sem_alloc : memref<!tpu.dma_semaphore, #tpu.memory_space<semaphore_mem>>
      %dma_start3A_90 = arith.constant 1024 : i32
      %dma_start3A_91 = tpu.memref_slice %arg16[%dma_start3A_90] : memref<2048xf32, #tpu.memory_space<vmem>> -> memref<1024xf32, #tpu.memory_space<vmem>>
      %dma_start3A_92 = tpu.memref_slice %arg8[%add3A_74] : memref<65536xf32, #tpu.memory_space<hbm>> -> memref<1024xf32, #tpu.memory_space<hbm>>
      %dma_start3A_93 = tpu.memref_slice %arg8[%add3A_74] : memref<65536xf32, #tpu.memory_space<hbm>> -> memref<1024xf32, #tpu.memory_space<hbm>>
      %dma_start3A_94 = arith.constant 1024 : i32
      %dma_start3A_95 = tpu.memref_slice %arg16[%dma_start3A_94] : memref<2048xf32, #tpu.memory_space<vmem>> -> memref<1024xf32, #tpu.memory_space<vmem>>
      tpu.enqueue_dma source(%dma_start3A_95 : memref<1024xf32, #tpu.memory_space<vmem>>) target(%dma_start3A_93 : memref<1024xf32, #tpu.memory_space<hbm>>) target_semaphore(%run_scoped3A : memref<!tpu.dma_semaphore, #tpu.memory_space<semaphore_mem>>)
      %dma_wait3A_96 = arith.constant 1024 : i32
      %dma_wait3A_97 = tpu.memref_slice %arg16[%dma_wait3A_96] : memref<2048xf32, #tpu.memory_space<vmem>> -> memref<1024xf32, #tpu.memory_space<vmem>>
      %dma_wait3A_98 = tpu.memref_slice %arg8[%add3A_74] : memref<65536xf32, #tpu.memory_space<hbm>> -> memref<1024xf32, #tpu.memory_space<hbm>>
      %dma_wait3A_99 = tpu.memref_slice %arg8[%add3A_74] : memref<65536xf32, #tpu.memory_space<hbm>> -> memref<1024xf32, #tpu.memory_space<hbm>>
      %dma_wait3A_100 = arith.constant 1024 : i32
      %dma_wait3A_101 = tpu.memref_slice %arg16[%dma_wait3A_100] : memref<2048xf32, #tpu.memory_space<vmem>> -> memref<1024xf32, #tpu.memory_space<vmem>>
      tpu.wait_dma2 semaphore(%run_scoped3A : memref<!tpu.dma_semaphore, #tpu.memory_space<semaphore_mem>>) src(%dma_wait3A_101 : memref<1024xf32, #tpu.memory_space<vmem>>) dst(%dma_wait3A_99 : memref<1024xf32, #tpu.memory_space<hbm>>)
      tpu.yield
    }) : () -> ()
    %mul3A_75 = arith.constant 5.000000e+00 : f32
    %mul3A_76 = vector.broadcast %mul3A_75 : f32 to vector<16xf32>
    %mul3A_77 = arith.mulf %scan3A_59#0, %mul3A_76 : vector<16xf32>
    %swap3A = arith.constant 0 : i32
    %swap3A_78 = arith.index_cast %swap3A : i32 to index
    %swap3A_79 = arith.constant 0 : index
    %swap3A_80 = tpu.vector_load %arg17[%swap3A_78, %swap3A_79] {strides = array<i32>} : memref<2x16xf32, #tpu.memory_space<vmem>>, vector<16xf32>,
    tpu.vector_store %arg17[%swap3A_78, %swap3A_79], %mul3A_77 {strides = array<i32>} : memref<2x16xf32, #tpu.memory_space<vmem>>, vector<16xf32>,
    %mul3A_81 = arith.constant 5.000000e-01 : f32
    %mul3A_82 = vector.broadcast %mul3A_81 : f32 to vector<16xf32>
    %mul3A_83 = arith.mulf %scan3A_59#1, %mul3A_82 : vector<16xf32>
    %swap3A_84 = arith.constant 1 : i32
    %swap3A_85 = arith.index_cast %swap3A_84 : i32 to index
    %swap3A_86 = arith.constant 0 : index
    %swap3A_87 = tpu.vector_load %arg17[%swap3A_85, %swap3A_86] {strides = array<i32>} : memref<2x16xf32, #tpu.memory_space<vmem>>, vector<16xf32>,
    tpu.vector_store %arg17[%swap3A_85, %swap3A_86], %mul3A_83 {strides = array<i32>} : memref<2x16xf32, #tpu.memory_space<vmem>>, vector<16xf32>,
    "tpu.region"() ({
      %run_scoped3A = tpu.sem_alloc : memref<!tpu.dma_semaphore, #tpu.memory_space<semaphore_mem>>
      %dma_start3A_90 = arith.constant 0 : i32
      %dma_start3A_91 = arith.constant 0 : i32
      %dma_start3A_92 = tpu.memref_slice %arg20[%arg1, %dma_start3A_90, %dma_start3A_91] : memref<16x2x16xf32, #tpu.memory_space<vmem_shared>> -> memref<1x2x16xf32, #tpu.memory_space<vmem_shared>>
      %dma_start3A_93 = tpu.memref_squeeze %dma_start3A_92 : memref<1x2x16xf32, #tpu.memory_space<vmem_shared>> -> memref<2x16xf32, #tpu.memory_space<vmem_shared>>
      %dma_start3A_94 = arith.constant 0 : i32
      %dma_start3A_95 = arith.constant 0 : i32
      %dma_start3A_96 = tpu.memref_slice %arg20[%arg1, %dma_start3A_94, %dma_start3A_95] : memref<16x2x16xf32, #tpu.memory_space<vmem_shared>> -> memref<1x2x16xf32, #tpu.memory_space<vmem_shared>>
      %dma_start3A_97 = tpu.memref_squeeze %dma_start3A_96 : memref<1x2x16xf32, #tpu.memory_space<vmem_shared>> -> memref<2x16xf32, #tpu.memory_space<vmem_shared>>
      tpu.enqueue_dma source(%arg17 : memref<2x16xf32, #tpu.memory_space<vmem>>) target(%dma_start3A_97 : memref<2x16xf32, #tpu.memory_space<vmem_shared>>) target_semaphore(%run_scoped3A : memref<!tpu.dma_semaphore, #tpu.memory_space<semaphore_mem>>)
      %dma_wait3A_98 = arith.constant 0 : i32
      %dma_wait3A_99 = arith.constant 0 : i32
      %dma_wait3A_100 = tpu.memref_slice %arg20[%arg1, %dma_wait3A_98, %dma_wait3A_99] : memref<16x2x16xf32, #tpu.memory_space<vmem_shared>> -> memref<1x2x16xf32, #tpu.memory_space<vmem_shared>>
      %dma_wait3A_101 = tpu.memref_squeeze %dma_wait3A_100 : memref<1x2x16xf32, #tpu.memory_space<vmem_shared>> -> memref<2x16xf32, #tpu.memory_space<vmem_shared>>
      %dma_wait3A_102 = arith.constant 0 : i32
      %dma_wait3A_103 = arith.constant 0 : i32
      %dma_wait3A_104 = tpu.memref_slice %arg20[%arg1, %dma_wait3A_102, %dma_wait3A_103] : memref<16x2x16xf32, #tpu.memory_space<vmem_shared>> -> memref<1x2x16xf32, #tpu.memory_space<vmem_shared>>
      %dma_wait3A_105 = tpu.memref_squeeze %dma_wait3A_104 : memref<1x2x16xf32, #tpu.memory_space<vmem_shared>> -> memref<2x16xf32, #tpu.memory_space<vmem_shared>>
      tpu.wait_dma2 semaphore(%run_scoped3A : memref<!tpu.dma_semaphore, #tpu.memory_space<semaphore_mem>>) src(%arg17 : memref<2x16xf32, #tpu.memory_space<vmem>>) dst(%dma_wait3A_105 : memref<2x16xf32, #tpu.memory_space<vmem_shared>>)
      tpu.yield
    }) : () -> ()
    %barrier3A = arith.constant 0 : index
    tpu.barrier barrier_id(%barrier3A)
    %eq3A = arith.constant 0 : i32
    %eq3A_88 = arith.cmpi eq, %arg1, %eq3A : i32
    %convert_element_type3A = arith.extui %eq3A_88 : i1 to i32
    %cond3A = arith.constant 0 : i32
    %cond3A_89 = arith.cmpi ne, %convert_element_type3A, %cond3A : i32
    scf.if %cond3A_89 {
      "tpu.region"() ({
        %run_scoped3A = tpu.sem_alloc : memref<!tpu.dma_semaphore, #tpu.memory_space<semaphore_mem>>
        tpu.enqueue_dma source(%arg20 : memref<16x2x16xf32, #tpu.memory_space<vmem_shared>>) target(%arg18 : memref<16x2x16xf32, #tpu.memory_space<vmem>>) target_semaphore(%run_scoped3A : memref<!tpu.dma_semaphore, #tpu.memory_space<semaphore_mem>>)
        tpu.wait_dma2 semaphore(%run_scoped3A : memref<!tpu.dma_semaphore, #tpu.memory_space<semaphore_mem>>) src(%arg20 : memref<16x2x16xf32, #tpu.memory_space<vmem_shared>>) dst(%arg18 : memref<16x2x16xf32, #tpu.memory_space<vmem>>)
        tpu.yield
      }) : () -> ()
      %get3A = arith.constant 0 : i32
      %get3A_90 = arith.constant 0 : i32
      %get3A_91 = arith.index_cast %get3A : i32 to index
      %get3A_92 = arith.index_cast %get3A_90 : i32 to index
      %get3A_93 = arith.constant 0 : index
      %get3A_94 = tpu.vector_load %arg18[%get3A_91, %get3A_92, %get3A_93] {strides = array<i32>} : memref<16x2x16xf32, #tpu.memory_space<vmem>>, vector<16xf32>,
      %get3A_95 = arith.constant 0 : i32
      %get3A_96 = arith.constant 1 : i32
      %get3A_97 = arith.index_cast %get3A_95 : i32 to index
      %get3A_98 = arith.index_cast %get3A_96 : i32 to index
      %get3A_99 = arith.constant 0 : index
      %get3A_100 = tpu.vector_load %arg18[%get3A_97, %get3A_98, %get3A_99] {strides = array<i32>} : memref<16x2x16xf32, #tpu.memory_space<vmem>>, vector<16xf32>,
      %get3A_101 = arith.constant 1 : i32
      %get3A_102 = arith.constant 0 : i32
      %get3A_103 = arith.index_cast %get3A_101 : i32 to index
      %get3A_104 = arith.index_cast %get3A_102 : i32 to index
      %get3A_105 = arith.constant 0 : index
      %get3A_106 = tpu.vector_load %arg18[%get3A_103, %get3A_104, %get3A_105] {strides = array<i32>} : memref<16x2x16xf32, #tpu.memory_space<vmem>>, vector<16xf32>,
      %add3A_107 = arith.addf %get3A_94, %get3A_106 : vector<16xf32>
      %get3A_108 = arith.constant 1 : i32
      %get3A_109 = arith.constant 1 : i32
      %get3A_110 = arith.index_cast %get3A_108 : i32 to index
      %get3A_111 = arith.index_cast %get3A_109 : i32 to index
      %get3A_112 = arith.constant 0 : index
      %get3A_113 = tpu.vector_load %arg18[%get3A_110, %get3A_111, %get3A_112] {strides = array<i32>} : memref<16x2x16xf32, #tpu.memory_space<vmem>>, vector<16xf32>,
      %add3A_114 = arith.addf %get3A_100, %get3A_113 : vector<16xf32>
      %get3A_115 = arith.constant 2 : i32
      %get3A_116 = arith.constant 0 : i32
      %get3A_117 = arith.index_cast %get3A_115 : i32 to index
      %get3A_118 = arith.index_cast %get3A_116 : i32 to index
      %get3A_119 = arith.constant 0 : index
      %get3A_120 = tpu.vector_load %arg18[%get3A_117, %get3A_118, %get3A_119] {strides = array<i32>} : memref<16x2x16xf32, #tpu.memory_space<vmem>>, vector<16xf32>,
      %add3A_121 = arith.addf %add3A_107, %get3A_120 : vector<16xf32>
      %get3A_122 = arith.constant 2 : i32
      %get3A_123 = arith.constant 1 : i32
      %get3A_124 = arith.index_cast %get3A_122 : i32 to index
      %get3A_125 = arith.index_cast %get3A_123 : i32 to index
      %get3A_126 = arith.constant 0 : index
      %get3A_127 = tpu.vector_load %arg18[%get3A_124, %get3A_125, %get3A_126] {strides = array<i32>} : memref<16x2x16xf32, #tpu.memory_space<vmem>>, vector<16xf32>,
      %add3A_128 = arith.addf %add3A_114, %get3A_127 : vector<16xf32>
      %get3A_129 = arith.constant 3 : i32
      %get3A_130 = arith.constant 0 : i32
      %get3A_131 = arith.index_cast %get3A_129 : i32 to index
      %get3A_132 = arith.index_cast %get3A_130 : i32 to index
      %get3A_133 = arith.constant 0 : index
      %get3A_134 = tpu.vector_load %arg18[%get3A_131, %get3A_132, %get3A_133] {strides = array<i32>} : memref<16x2x16xf32, #tpu.memory_space<vmem>>, vector<16xf32>,
      %add3A_135 = arith.addf %add3A_121, %get3A_134 : vector<16xf32>
      %get3A_136 = arith.constant 3 : i32
      %get3A_137 = arith.constant 1 : i32
      %get3A_138 = arith.index_cast %get3A_136 : i32 to index
      %get3A_139 = arith.index_cast %get3A_137 : i32 to index
      %get3A_140 = arith.constant 0 : index
      %get3A_141 = tpu.vector_load %arg18[%get3A_138, %get3A_139, %get3A_140] {strides = array<i32>} : memref<16x2x16xf32, #tpu.memory_space<vmem>>, vector<16xf32>,
      %add3A_142 = arith.addf %add3A_128, %get3A_141 : vector<16xf32>
      %get3A_143 = arith.constant 4 : i32
      %get3A_144 = arith.constant 0 : i32
      %get3A_145 = arith.index_cast %get3A_143 : i32 to index
      %get3A_146 = arith.index_cast %get3A_144 : i32 to index
      %get3A_147 = arith.constant 0 : index
      %get3A_148 = tpu.vector_load %arg18[%get3A_145, %get3A_146, %get3A_147] {strides = array<i32>} : memref<16x2x16xf32, #tpu.memory_space<vmem>>, vector<16xf32>,
      %add3A_149 = arith.addf %add3A_135, %get3A_148 : vector<16xf32>
      %get3A_150 = arith.constant 4 : i32
      %get3A_151 = arith.constant 1 : i32
      %get3A_152 = arith.index_cast %get3A_150 : i32 to index
      %get3A_153 = arith.index_cast %get3A_151 : i32 to index
      %get3A_154 = arith.constant 0 : index
      %get3A_155 = tpu.vector_load %arg18[%get3A_152, %get3A_153, %get3A_154] {strides = array<i32>} : memref<16x2x16xf32, #tpu.memory_space<vmem>>, vector<16xf32>,
      %add3A_156 = arith.addf %add3A_142, %get3A_155 : vector<16xf32>
      %get3A_157 = arith.constant 5 : i32
      %get3A_158 = arith.constant 0 : i32
      %get3A_159 = arith.index_cast %get3A_157 : i32 to index
      %get3A_160 = arith.index_cast %get3A_158 : i32 to index
      %get3A_161 = arith.constant 0 : index
      %get3A_162 = tpu.vector_load %arg18[%get3A_159, %get3A_160, %get3A_161] {strides = array<i32>} : memref<16x2x16xf32, #tpu.memory_space<vmem>>, vector<16xf32>,
      %add3A_163 = arith.addf %add3A_149, %get3A_162 : vector<16xf32>
      %get3A_164 = arith.constant 5 : i32
      %get3A_165 = arith.constant 1 : i32
      %get3A_166 = arith.index_cast %get3A_164 : i32 to index
      %get3A_167 = arith.index_cast %get3A_165 : i32 to index
      %get3A_168 = arith.constant 0 : index
      %get3A_169 = tpu.vector_load %arg18[%get3A_166, %get3A_167, %get3A_168] {strides = array<i32>} : memref<16x2x16xf32, #tpu.memory_space<vmem>>, vector<16xf32>,
      %add3A_170 = arith.addf %add3A_156, %get3A_169 : vector<16xf32>
      %get3A_171 = arith.constant 6 : i32
      %get3A_172 = arith.constant 0 : i32
      %get3A_173 = arith.index_cast %get3A_171 : i32 to index
      %get3A_174 = arith.index_cast %get3A_172 : i32 to index
      %get3A_175 = arith.constant 0 : index
      %get3A_176 = tpu.vector_load %arg18[%get3A_173, %get3A_174, %get3A_175] {strides = array<i32>} : memref<16x2x16xf32, #tpu.memory_space<vmem>>, vector<16xf32>,
      %add3A_177 = arith.addf %add3A_163, %get3A_176 : vector<16xf32>
      %get3A_178 = arith.constant 6 : i32
      %get3A_179 = arith.constant 1 : i32
      %get3A_180 = arith.index_cast %get3A_178 : i32 to index
      %get3A_181 = arith.index_cast %get3A_179 : i32 to index
      %get3A_182 = arith.constant 0 : index
      %get3A_183 = tpu.vector_load %arg18[%get3A_180, %get3A_181, %get3A_182] {strides = array<i32>} : memref<16x2x16xf32, #tpu.memory_space<vmem>>, vector<16xf32>,
      %add3A_184 = arith.addf %add3A_170, %get3A_183 : vector<16xf32>
      %get3A_185 = arith.constant 7 : i32
      %get3A_186 = arith.constant 0 : i32
      %get3A_187 = arith.index_cast %get3A_185 : i32 to index
      %get3A_188 = arith.index_cast %get3A_186 : i32 to index
      %get3A_189 = arith.constant 0 : index
      %get3A_190 = tpu.vector_load %arg18[%get3A_187, %get3A_188, %get3A_189] {strides = array<i32>} : memref<16x2x16xf32, #tpu.memory_space<vmem>>, vector<16xf32>,
      %add3A_191 = arith.addf %add3A_177, %get3A_190 : vector<16xf32>
      %get3A_192 = arith.constant 7 : i32
      %get3A_193 = arith.constant 1 : i32
      %get3A_194 = arith.index_cast %get3A_192 : i32 to index
      %get3A_195 = arith.index_cast %get3A_193 : i32 to index
      %get3A_196 = arith.constant 0 : index
      %get3A_197 = tpu.vector_load %arg18[%get3A_194, %get3A_195, %get3A_196] {strides = array<i32>} : memref<16x2x16xf32, #tpu.memory_space<vmem>>, vector<16xf32>,
      %add3A_198 = arith.addf %add3A_184, %get3A_197 : vector<16xf32>
      %get3A_199 = arith.constant 8 : i32
      %get3A_200 = arith.constant 0 : i32
      %get3A_201 = arith.index_cast %get3A_199 : i32 to index
      %get3A_202 = arith.index_cast %get3A_200 : i32 to index
      %get3A_203 = arith.constant 0 : index
      %get3A_204 = tpu.vector_load %arg18[%get3A_201, %get3A_202, %get3A_203] {strides = array<i32>} : memref<16x2x16xf32, #tpu.memory_space<vmem>>, vector<16xf32>,
      %add3A_205 = arith.addf %add3A_191, %get3A_204 : vector<16xf32>
      %get3A_206 = arith.constant 8 : i32
      %get3A_207 = arith.constant 1 : i32
      %get3A_208 = arith.index_cast %get3A_206 : i32 to index
      %get3A_209 = arith.index_cast %get3A_207 : i32 to index
      %get3A_210 = arith.constant 0 : index
      %get3A_211 = tpu.vector_load %arg18[%get3A_208, %get3A_209, %get3A_210] {strides = array<i32>} : memref<16x2x16xf32, #tpu.memory_space<vmem>>, vector<16xf32>,
      %add3A_212 = arith.addf %add3A_198, %get3A_211 : vector<16xf32>
      %get3A_213 = arith.constant 9 : i32
      %get3A_214 = arith.constant 0 : i32
      %get3A_215 = arith.index_cast %get3A_213 : i32 to index
      %get3A_216 = arith.index_cast %get3A_214 : i32 to index
      %get3A_217 = arith.constant 0 : index
      %get3A_218 = tpu.vector_load %arg18[%get3A_215, %get3A_216, %get3A_217] {strides = array<i32>} : memref<16x2x16xf32, #tpu.memory_space<vmem>>, vector<16xf32>,
      %add3A_219 = arith.addf %add3A_205, %get3A_218 : vector<16xf32>
      %get3A_220 = arith.constant 9 : i32
      %get3A_221 = arith.constant 1 : i32
      %get3A_222 = arith.index_cast %get3A_220 : i32 to index
      %get3A_223 = arith.index_cast %get3A_221 : i32 to index
      %get3A_224 = arith.constant 0 : index
      %get3A_225 = tpu.vector_load %arg18[%get3A_222, %get3A_223, %get3A_224] {strides = array<i32>} : memref<16x2x16xf32, #tpu.memory_space<vmem>>, vector<16xf32>,
      %add3A_226 = arith.addf %add3A_212, %get3A_225 : vector<16xf32>
      %get3A_227 = arith.constant 10 : i32
      %get3A_228 = arith.constant 0 : i32
      %get3A_229 = arith.index_cast %get3A_227 : i32 to index
      %get3A_230 = arith.index_cast %get3A_228 : i32 to index
      %get3A_231 = arith.constant 0 : index
      %get3A_232 = tpu.vector_load %arg18[%get3A_229, %get3A_230, %get3A_231] {strides = array<i32>} : memref<16x2x16xf32, #tpu.memory_space<vmem>>, vector<16xf32>,
      %add3A_233 = arith.addf %add3A_219, %get3A_232 : vector<16xf32>
      %get3A_234 = arith.constant 10 : i32
      %get3A_235 = arith.constant 1 : i32
      %get3A_236 = arith.index_cast %get3A_234 : i32 to index
      %get3A_237 = arith.index_cast %get3A_235 : i32 to index
      %get3A_238 = arith.constant 0 : index
      %get3A_239 = tpu.vector_load %arg18[%get3A_236, %get3A_237, %get3A_238] {strides = array<i32>} : memref<16x2x16xf32, #tpu.memory_space<vmem>>, vector<16xf32>,
      %add3A_240 = arith.addf %add3A_226, %get3A_239 : vector<16xf32>
      %get3A_241 = arith.constant 11 : i32
      %get3A_242 = arith.constant 0 : i32
      %get3A_243 = arith.index_cast %get3A_241 : i32 to index
      %get3A_244 = arith.index_cast %get3A_242 : i32 to index
      %get3A_245 = arith.constant 0 : index
      %get3A_246 = tpu.vector_load %arg18[%get3A_243, %get3A_244, %get3A_245] {strides = array<i32>} : memref<16x2x16xf32, #tpu.memory_space<vmem>>, vector<16xf32>,
      %add3A_247 = arith.addf %add3A_233, %get3A_246 : vector<16xf32>
      %get3A_248 = arith.constant 11 : i32
      %get3A_249 = arith.constant 1 : i32
      %get3A_250 = arith.index_cast %get3A_248 : i32 to index
      %get3A_251 = arith.index_cast %get3A_249 : i32 to index
      %get3A_252 = arith.constant 0 : index
      %get3A_253 = tpu.vector_load %arg18[%get3A_250, %get3A_251, %get3A_252] {strides = array<i32>} : memref<16x2x16xf32, #tpu.memory_space<vmem>>, vector<16xf32>,
      %add3A_254 = arith.addf %add3A_240, %get3A_253 : vector<16xf32>
      %get3A_255 = arith.constant 12 : i32
      %get3A_256 = arith.constant 0 : i32
      %get3A_257 = arith.index_cast %get3A_255 : i32 to index
      %get3A_258 = arith.index_cast %get3A_256 : i32 to index
      %get3A_259 = arith.constant 0 : index
      %get3A_260 = tpu.vector_load %arg18[%get3A_257, %get3A_258, %get3A_259] {strides = array<i32>} : memref<16x2x16xf32, #tpu.memory_space<vmem>>, vector<16xf32>,
      %add3A_261 = arith.addf %add3A_247, %get3A_260 : vector<16xf32>
      %get3A_262 = arith.constant 12 : i32
      %get3A_263 = arith.constant 1 : i32
      %get3A_264 = arith.index_cast %get3A_262 : i32 to index
      %get3A_265 = arith.index_cast %get3A_263 : i32 to index
      %get3A_266 = arith.constant 0 : index
      %get3A_267 = tpu.vector_load %arg18[%get3A_264, %get3A_265, %get3A_266] {strides = array<i32>} : memref<16x2x16xf32, #tpu.memory_space<vmem>>, vector<16xf32>,
      %add3A_268 = arith.addf %add3A_254, %get3A_267 : vector<16xf32>
      %get3A_269 = arith.constant 13 : i32
      %get3A_270 = arith.constant 0 : i32
      %get3A_271 = arith.index_cast %get3A_269 : i32 to index
      %get3A_272 = arith.index_cast %get3A_270 : i32 to index
      %get3A_273 = arith.constant 0 : index
      %get3A_274 = tpu.vector_load %arg18[%get3A_271, %get3A_272, %get3A_273] {strides = array<i32>} : memref<16x2x16xf32, #tpu.memory_space<vmem>>, vector<16xf32>,
      %add3A_275 = arith.addf %add3A_261, %get3A_274 : vector<16xf32>
      %get3A_276 = arith.constant 13 : i32
      %get3A_277 = arith.constant 1 : i32
      %get3A_278 = arith.index_cast %get3A_276 : i32 to index
      %get3A_279 = arith.index_cast %get3A_277 : i32 to index
      %get3A_280 = arith.constant 0 : index
      %get3A_281 = tpu.vector_load %arg18[%get3A_278, %get3A_279, %get3A_280] {strides = array<i32>} : memref<16x2x16xf32, #tpu.memory_space<vmem>>, vector<16xf32>,
      %add3A_282 = arith.addf %add3A_268, %get3A_281 : vector<16xf32>
      %get3A_283 = arith.constant 14 : i32
      %get3A_284 = arith.constant 0 : i32
      %get3A_285 = arith.index_cast %get3A_283 : i32 to index
      %get3A_286 = arith.index_cast %get3A_284 : i32 to index
      %get3A_287 = arith.constant 0 : index
      %get3A_288 = tpu.vector_load %arg18[%get3A_285, %get3A_286, %get3A_287] {strides = array<i32>} : memref<16x2x16xf32, #tpu.memory_space<vmem>>, vector<16xf32>,
      %add3A_289 = arith.addf %add3A_275, %get3A_288 : vector<16xf32>
      %get3A_290 = arith.constant 14 : i32
      %get3A_291 = arith.constant 1 : i32
      %get3A_292 = arith.index_cast %get3A_290 : i32 to index
      %get3A_293 = arith.index_cast %get3A_291 : i32 to index
      %get3A_294 = arith.constant 0 : index
      %get3A_295 = tpu.vector_load %arg18[%get3A_292, %get3A_293, %get3A_294] {strides = array<i32>} : memref<16x2x16xf32, #tpu.memory_space<vmem>>, vector<16xf32>,
      %add3A_296 = arith.addf %add3A_282, %get3A_295 : vector<16xf32>
      %get3A_297 = arith.constant 15 : i32
      %get3A_298 = arith.constant 0 : i32
      %get3A_299 = arith.index_cast %get3A_297 : i32 to index
      %get3A_300 = arith.index_cast %get3A_298 : i32 to index
      %get3A_301 = arith.constant 0 : index
      %get3A_302 = tpu.vector_load %arg18[%get3A_299, %get3A_300, %get3A_301] {strides = array<i32>} : memref<16x2x16xf32, #tpu.memory_space<vmem>>, vector<16xf32>,
      %add3A_303 = arith.addf %add3A_289, %get3A_302 : vector<16xf32>
      %get3A_304 = arith.constant 15 : i32
      %get3A_305 = arith.constant 1 : i32
      %get3A_306 = arith.index_cast %get3A_304 : i32 to index
      %get3A_307 = arith.index_cast %get3A_305 : i32 to index
      %get3A_308 = arith.constant 0 : index
      %get3A_309 = tpu.vector_load %arg18[%get3A_306, %get3A_307, %get3A_308] {strides = array<i32>} : memref<16x2x16xf32, #tpu.memory_space<vmem>>, vector<16xf32>,
      %add3A_310 = arith.addf %add3A_296, %get3A_309 : vector<16xf32>
      %reduce_sum3A = arith.constant true
      %reduce_sum3A_311 = vector.broadcast %reduce_sum3A : i1 to vector<16xi1>
      %reduce_sum3A_312 = tpu.scan <sum>, %add3A_303 masked %reduce_sum3A_311 : vector<16xf32>, vector<16xi1> -> vector<16xf32>
      %reduce_sum3A_313 = vector.extract %reduce_sum3A_312[15] : f32 from vector<16xf32>
      %broadcast_in_dim3A_314 = vector.broadcast %reduce_sum3A_313 : f32 to vector<16xf32>
      %swap3A_315 = arith.constant 0 : i32
      %swap3A_316 = arith.index_cast %swap3A_315 : i32 to index
      %swap3A_317 = arith.constant 0 : index
      %swap3A_318 = tpu.vector_load %arg19[%swap3A_316, %swap3A_317] {strides = array<i32>} : memref<2x16xf32, #tpu.memory_space<vmem>>, vector<16xf32>,
      tpu.vector_store %arg19[%swap3A_316, %swap3A_317], %broadcast_in_dim3A_314 {strides = array<i32>} : memref<2x16xf32, #tpu.memory_space<vmem>>, vector<16xf32>,
      %reduce_sum3A_319 = arith.constant true
      %reduce_sum3A_320 = vector.broadcast %reduce_sum3A_319 : i1 to vector<16xi1>
      %reduce_sum3A_321 = tpu.scan <sum>, %add3A_310 masked %reduce_sum3A_320 : vector<16xf32>, vector<16xi1> -> vector<16xf32>
      %reduce_sum3A_322 = vector.extract %reduce_sum3A_321[15] : f32 from vector<16xf32>
      %broadcast_in_dim3A_323 = vector.broadcast %reduce_sum3A_322 : f32 to vector<16xf32>
      %swap3A_324 = arith.constant 1 : i32
      %swap3A_325 = arith.index_cast %swap3A_324 : i32 to index
      %swap3A_326 = arith.constant 0 : index
      %swap3A_327 = tpu.vector_load %arg19[%swap3A_325, %swap3A_326] {strides = array<i32>} : memref<2x16xf32, #tpu.memory_space<vmem>>, vector<16xf32>,
      tpu.vector_store %arg19[%swap3A_325, %swap3A_326], %broadcast_in_dim3A_323 {strides = array<i32>} : memref<2x16xf32, #tpu.memory_space<vmem>>, vector<16xf32>,
      "tpu.region"() ({
        %run_scoped3A = tpu.sem_alloc : memref<!tpu.dma_semaphore, #tpu.memory_space<semaphore_mem>>
        %dma_start3A_328 = arith.constant 0 : i32
        %dma_start3A_329 = arith.constant 0 : i32
        %dma_start3A_330 = tpu.memref_slice %arg9[%arg0, %dma_start3A_328, %dma_start3A_329] : memref<2x2x16xf32, #tpu.memory_space<hbm>> -> memref<1x2x16xf32, #tpu.memory_space<hbm>>
        %dma_start3A_331 = tpu.memref_squeeze %dma_start3A_330 : memref<1x2x16xf32, #tpu.memory_space<hbm>> -> memref<2x16xf32, #tpu.memory_space<hbm>>
        %dma_start3A_332 = arith.constant 0 : i32
        %dma_start3A_333 = arith.constant 0 : i32
        %dma_start3A_334 = tpu.memref_slice %arg9[%arg0, %dma_start3A_332, %dma_start3A_333] : memref<2x2x16xf32, #tpu.memory_space<hbm>> -> memref<1x2x16xf32, #tpu.memory_space<hbm>>
        %dma_start3A_335 = tpu.memref_squeeze %dma_start3A_334 : memref<1x2x16xf32, #tpu.memory_space<hbm>> -> memref<2x16xf32, #tpu.memory_space<hbm>>
        tpu.enqueue_dma source(%arg19 : memref<2x16xf32, #tpu.memory_space<vmem>>) target(%dma_start3A_335 : memref<2x16xf32, #tpu.memory_space<hbm>>) target_semaphore(%run_scoped3A : memref<!tpu.dma_semaphore, #tpu.memory_space<semaphore_mem>>)
        %dma_wait3A_336 = arith.constant 0 : i32
        %dma_wait3A_337 = arith.constant 0 : i32
        %dma_wait3A_338 = tpu.memref_slice %arg9[%arg0, %dma_wait3A_336, %dma_wait3A_337] : memref<2x2x16xf32, #tpu.memory_space<hbm>> -> memref<1x2x16xf32, #tpu.memory_space<hbm>>
        %dma_wait3A_339 = tpu.memref_squeeze %dma_wait3A_338 : memref<1x2x16xf32, #tpu.memory_space<hbm>> -> memref<2x16xf32, #tpu.memory_space<hbm>>
        %dma_wait3A_340 = arith.constant 0 : i32
        %dma_wait3A_341 = arith.constant 0 : i32
        %dma_wait3A_342 = tpu.memref_slice %arg9[%arg0, %dma_wait3A_340, %dma_wait3A_341] : memref<2x2x16xf32, #tpu.memory_space<hbm>> -> memref<1x2x16xf32, #tpu.memory_space<hbm>>
        %dma_wait3A_343 = tpu.memref_squeeze %dma_wait3A_342 : memref<1x2x16xf32, #tpu.memory_space<hbm>> -> memref<2x16xf32, #tpu.memory_space<hbm>>
        tpu.wait_dma2 semaphore(%run_scoped3A : memref<!tpu.dma_semaphore, #tpu.memory_space<semaphore_mem>>) src(%arg19 : memref<2x16xf32, #tpu.memory_space<vmem>>) dst(%dma_wait3A_343 : memref<2x16xf32, #tpu.memory_space<hbm>>)
        tpu.yield
      }) : () -> ()
    } else {
    }
    return
  }
}

</mosaic_0001>

<sc_bundles>
// kernel: kernel.3.cloned.1.call-start
scs
__scs_entry_jumppad:
0x0: {  	(pc) =	sbr.rel $0x88, $3  }
0x1: {  	(tag) =	ssettag $0x0;
	lr =	simm.s32 $0x1  }
0x2: {  	[smem:$0x3F9C] =	sst lr;
	_ =	strace $0xD0000000  }
0x3: {  	_ = 	snop  }
0x4: {  	_ = 	snop  }
0x5: {  	_ = 	snop  }
0x6: {  	_ = 	snop  }
0x7: {  	_ = 	snop  }
__scs_overlays_trampoline_lowered:
0x8: {  	[smem:$0x3FAB] =	sst s0  }
0x9: {  	[smem:$0x3FAC] =	sst s1  }
0xa: {  	[smem:$0x3FAD] =	sst s2  }
0xb: {  	[smem:$0x3FAE] =	sst s3  }
0xc: {  	[smem:$0x3FAF] =	sst s4  }
0xd: {  	[smem:$0x3FB0] =	sst s5  }
0xe: {  	[smem:$0x3FB1] =	sst s6  }
0xf: {  	[smem:$0x3FB2] =	sst s7  }
0x10: {  	[smem:$0x3FB3] =	sst s8  }
0x11: {  	[smem:$0x3FB4] =	sst s9;
	s0 =	simm.s32 @!p0 $0x0  }
0x12: {  	s1 =	sld [smem:$0x3F9A];
	s0 =	simm.s32 @p0 $0x1  }
0x13: {  	[smem:$0x3FB5] =	sst s0;
	s0 =	simm.s32 @!p1 $0x0  }
0x14: {  	s2 =	sld [smem:$0x3F99];
	s0 =	simm.s32 @p1 $0x1  }
0x15: {  	[smem:$0x3FB6] =	sst s0;
	s0 =	simm.s32 @!p2 $0x0  }
0x16: {  	s3 =	sld [smem:$0x3FDB];
	s0 =	simm.s32 @p2 $0x1  }
0x17: {  	s4 =	simm.s32 $0x1BF5;
	[smem:$0x3FB8] =	sst s0  }
0x18: {  	s0 =	sld [smem:$0x3F9B];
	_ =	swait.ge [sflag:s4], $0x0  }
0x19: {  	s7 =	sld [smem:$0x3F9C]  }
0x1a: {  	s8 =	sadd.s32 $0xFFFFE003, lr  }
0x1b: {  	s9 =	sadd.s32 $0xFFFFFEF7, lr;
	s5 =	simm.s32 $0xFFFFFFFF;
	p2 =	slt.u32 s8, $0xFFFFF086  }
0x1c: {  	p1 =	slt.u32 s9, $0xF7A;
	s5 =	simm.s32 @!p2 $0x0  }
0x1d: {  	s5 =	simm.s32 @p1 $0x1;
	p0 =	seq.s32 s7, s2  }
0x1e: {  	s7 =	smul.u32 @!p0 $0xF7A, s2;
	p2 =	seq.s32 @!p0 s5, $0x0  }
0x1f: {  	s9 =	smul.u32 $0xF7A, s1;
	s8 =	simm.s32 @!p0 $0x1BF5;
	p2 =	por !p2, p0  }
0x20: {  	[sflag:s8] =	ssyncset.s32 @!p0 $0xFFFFF086;
	s6 =	sadd.s32 @!p0 s3, s7;
	s7 =	simm.s32 @!p0 $0x108  }
0x21: {  	s3 =	sadd.s32 s3, s9;
	s6 =	sadd.s32 @!p0 $0x88, s6;
	s7 =	simm.s32 @p2 $0x1082  }
0x22: {  	[simem:s7], [sflag:s8] =	dma.local @!p0 [hbm:s6], $0xF7A  }
0x23: {  	s9 =	sor.u32 $0xD0000000, s2;
	s6 =	simm.s32 $0x108;
	_ =	swait.ge @!p0 [sflag:s8], $0x0  }
0x24: {  	s3 =	sadd.s32 $0x88, s3;
	s6 =	simm.s32 @!p1 $0x1082;
	[sflag:s4] =	ssyncset.s32 $0xFFFFF086  }
0x25: {  	[simem:s6], [sflag:s4] =	dma.local [hbm:s3], $0xF7A  }
0x26: {  	[smem:$0x3F9C] =	sst s1;
	(tag) =	ssettag s2;
	_ =	strace s9  }
0x27: {  	s1 =	sld [smem:$0x3FAC]  }
0x28: {  	s2 =	sld [smem:$0x3FAD]  }
0x29: {  	s4 =	sld [smem:$0x3FAF]  }
0x2a: {  	p0 =	seq.s32 s5, $0x0;
	s5 =	sld [smem:$0x3FB0]  }
0x2b: {  	s6 =	sld [smem:$0x3FB1]  }
0x2c: {  	s7 =	sld [smem:$0x3FB2]  }
0x2d: {  	s3 =	simm.s32 $0x108;
	s8 =	sld [smem:$0x3FB3]  }
0x2e: {  	s3 =	simm.s32 @!p0 $0x1082;
	s9 =	sld [smem:$0x3FB4]  }
0x2f: {  	lr =	sadd.s32 s0, s3;
	s0 =	sld [smem:$0x3FAB]  }
0x30: {  	s3 =	sld [smem:$0x3FAE]  }
0x31: {  	[smem:$0x3FB7] =	sst s10  }
0x32: {  	s10 =	sld [smem:$0x3FB5];
	_ =	sdelay $0x3  }
0x33: {  	p0 =	seq.s32 s10, $0x1;
	s10 =	sld [smem:$0x3FB7];
	_ =	sdelay $0x3  }
0x34: {  	[smem:$0x3FB7] =	sst s10  }
0x35: {  	s10 =	sld [smem:$0x3FB6];
	_ =	sdelay $0x3  }
0x36: {  	p1 =	seq.s32 s10, $0x1;
	s10 =	sld [smem:$0x3FB7];
	_ =	sdelay $0x3  }
0x37: {  	[smem:$0x3FB7] =	sst s10  }
0x38: {  	s10 =	sld [smem:$0x3FB8]  }
0x39: {  	_ = 	snop;
	(pc) =	sbr.ind lr, $3  }
0x3a: {  	_ = 	snop  }
0x3b: {  	_ = 	snop  }
0x3c: {  	p2 =	seq.s32 s10, $0x1;
	s10 =	sld [smem:$0x3FB7]  }
0x3d: {  	_ =	shalt  }
0x3e: {  	_ =	shalt  }
0x3f: {  	_ =	shalt  }
0x40: {  	_ =	shalt  }
0x41: {  	_ =	shalt  }
0x42: {  	_ =	shalt  }
0x43: {  	_ =	shalt  }
0x44: {  	_ =	shalt  }
0x45: {  	_ =	shalt  }
0x46: {  	_ =	shalt  }
0x47: {  	_ =	shalt  }
0x48: {  	_ =	shalt  }
0x49: {  	_ =	shalt  }
0x4a: {  	_ =	shalt  }
0x4b: {  	_ =	shalt  }
0x4c: {  	_ =	shalt  }
0x4d: {  	_ =	shalt  }
0x4e: {  	_ =	shalt  }
0x4f: {  	_ =	shalt  }
0x50: {  	_ =	shalt  }
0x51: {  	_ =	shalt  }
0x52: {  	_ =	shalt  }
0x53: {  	_ =	shalt  }
0x54: {  	_ =	shalt  }
0x55: {  	_ =	shalt  }
0x56: {  	_ =	shalt  }
0x57: {  	_ =	shalt  }
0x58: {  	_ =	shalt  }
0x59: {  	_ =	shalt  }
0x5a: {  	_ =	shalt  }
0x5b: {  	_ =	shalt  }
0x5c: {  	_ =	shalt  }
0x5d: {  	_ =	shalt  }
0x5e: {  	_ =	shalt  }
0x5f: {  	_ =	shalt  }
0x60: {  	_ =	shalt  }
0x61: {  	_ =	shalt  }
0x62: {  	_ =	shalt  }
0x63: {  	_ =	shalt  }
0x64: {  	_ =	shalt  }
0x65: {  	_ =	shalt  }
0x66: {  	_ =	shalt  }
0x67: {  	_ =	shalt  }
0x68: {  	_ =	shalt  }
0x69: {  	_ =	shalt  }
0x6a: {  	_ =	shalt  }
0x6b: {  	_ =	shalt  }
0x6c: {  	_ =	shalt  }
0x6d: {  	_ =	shalt  }
0x6e: {  	_ =	shalt  }
0x6f: {  	_ =	shalt  }
0x70: {  	_ =	shalt  }
0x71: {  	_ =	shalt  }
0x72: {  	_ =	shalt  }
0x73: {  	_ =	shalt  }
0x74: {  	_ =	shalt  }
0x75: {  	_ =	shalt  }
0x76: {  	_ =	shalt  }
0x77: {  	_ =	shalt  }
0x78: {  	_ =	shalt  }
0x79: {  	_ =	shalt  }
0x7a: {  	_ =	shalt  }
0x7b: {  	_ =	shalt  }
0x7c: {  	_ =	shalt  }
0x7d: {  	_ =	shalt  }
0x7e: {  	_ =	shalt  }
0x7f: {  	_ =	shalt  }
0x80: {  	_ =	shalt  }
0x81: {  	_ =	shalt  }
0x82: {  	_ =	shalt  }
0x83: {  	_ =	shalt  }
0x84: {  	_ =	shalt  }
0x85: {  	_ =	shalt  }
0x86: {  	_ =	shalt  }
0x87: {  	_ =	shalt  }
.Lfunc_end0:
.L_simem_size_0:
called_computation_lowered:
.L_overlay_start_0:
0x88: {  	s2 =	sld [smem:$0x3FD9]  }
0x89: {  	s3 =	sld [smem:$0x3FFE];
	_ =	sdelay $0x1  }
0x8a: {  	s1 =	srdreg.scid  }
0x8b: {  	s0 =	sand.u32 $0x1, s1  }
0x8c: {  	s14 =	sshll.u32 s0, $0xA;
	s2 =	sadd.s32 s3, s2  }
0x8d: {  	s2 =	sadd.s32 s2, s14  }
0x8e: {  	[smem:$0x3FC3] =	sst s2  }
0x8f: {  	_ = 	snop  }
0x90: {  	s2 =	sld [smem:$0x3FD0];
	_ =	sdelay $0x1  }
0x91: {  	s15 =	sld [smem:$0x3FC9]  }
0x92: {  	s5 =	simm.s32 $0xA;
	s6 =	simm.s32 $0x10;
	s4 =	sld [smem:$0x3FC8]  }
0x93: {  	[smem:s6], [sflag:s5] =	dma.local [hbm:s2], $0x1  }
0x94: {  	_ =	swait.eq [sflag:s5], $0x1  }
0x95: {  	s16 =	sld [smem:$0x10];
	[sflag:s5] =	ssyncset.done $0x0  }
0x96: {  	s17 =	sld [smem:$0x11];
	[sflag:s5] =	ssyncadd.s32 $0xFFFFFFFF  }
0x97: {  	s18 =	sld [smem:$0x13];
	(tm) =	ssettm $0x1  }
0x98: {  	s7 =	sld [smem:$0x3FFB];
	_ =	sdelay $0x3  }
0x99: {  	_ =	strace s7  }
0x9a: {  	s7 =	sld [smem:$0x3FFC];
	_ =	sdelay $0x3  }
0x9b: {  	_ =	strace s7  }
0x9c: {  	s7 =	sld [smem:$0x3FFD];
	_ =	sdelay $0x3  }
0x9d: {  	_ =	strace s7  }
0x9e: {  	_ =	strace $0x8FFFFFFF  }
0x9f: {  	s19 =	sld [smem:$0x3FDB];
	_ =	sdelay $0x1  }
0xa0: {  	s8 =	simm.s32 $_scs_section_size  }
0xa1: {  	s9 =	simm.s32 $_size__tile_overlayer_lowered;
	s10 =	simm.s32 $_tile_overlayer_lowered  }
0xa2: {  	s22 =	simm.s32 $0x1BFF;
	s21 =	sshll.u32 s10, $0x1;
	s7 =	sadd.s32 s8, s19  }
0xa3: {  	s11 =	simm.s32 $0x0;
	s20 =	sshll.u32 s9, $0x1;
	s9 =	sadd.s32 s21, s7  }
0xa4: {  	[timem:s11], [sflag:s22] =	dma.local [hbm:s9], s20  }
0xa5: {  	_ =	swait.ge [sflag:s22], s20  }
0xa6: {  	s8 =	ssub.s32 $0x0, s20;
	[sflag:s22] =	ssyncset.done $0x0  }
0xa7: {  	[sflag:s22] =	ssyncadd.s32 s8;
	_ =	sdelay $0x1  }
0xa8: {  	s23 =	simm.s32 $0x1B8B  }
0xa9: {  	_ =	swait.ge [sflag:s23], $0x1  }
0xaa: {  	[sflag:s23] =	ssyncset.done $0x0  }
0xab: {  	s25 =	simm.s32 $0x1B8E;
	s24 =	sld [smem:$0x3FFE];
	[sflag:s23] =	ssyncadd.s32 $0xFFFFFFFF  }
0xac: {  	s26 =	simm.s32 $execute0_lowered;
	[smem:$0x3FD2] =	sst s25  }
0xad: {  	s9 =	sshll.u32 s26, $0x1;
	_ =	strace $0x80000046;
	[dreg:$0x1] =	wrdreg $0xFFFFFFFF  }
0xae: {  	s28 =	simm.s32 $_size_execute0_lowered;
	s7 =	sadd.s32 s7, s9;
	[dreg:$0x0] =	wrdreg $0x0  }
0xaf: {  	s9 =	sshll.u32 s28, $0x1;
	[dreg:$0x2] =	wrdreg s7  }
0xb0: {  	[dreg:$0x3] =	wrdreg s9  }
0xb1: {  	[dreg:$0x4] =	wrdreg $0xC0  }
0xb2: {  	_ =	task [dreg:s11], $0x5FFFF  }
0xb3: {  	[dreg:$0x1] =	wrdreg $0xFFFFFFFF  }
0xb4: {  	[dreg:$0x0] =	wrdreg $0x60  }
0xb5: {  	[dreg:$0x2] =	wrdreg s15  }
0xb6: {  	[dreg:$0x3] =	wrdreg s4  }
0xb7: {  	[dreg:$0x4] =	wrdreg s24  }
0xb8: {  	[dreg:$0x5] =	wrdreg s16  }
0xb9: {  	[dreg:$0x6] =	wrdreg s17  }
0xba: {  	[dreg:$0x7] =	wrdreg s18  }
0xbb: {  	[dreg:$0x8] =	wrdreg $0x2DE00  }
0xbc: {  	[dreg:$0x9] =	wrdreg $0x9  }
0xbd: {  	_ =	task.clear_ibuf [dreg:s11], $0xAFFFF;
	_ =	strace $0x90000046  }
0xbe: {  	s29 =	simm.s32 $0x9;
	_ =	strace $0x80000048  }
0xbf: {  	_ =	swait.ge [sflag:s29], $0x1  }
0xc0: {  	[sflag:s29] =	ssyncadd.s32 $0xFFFFFFFF  }
0xc1: {  	_ =	strace $0x90000048  }
0xc2: {  	_ =	sfence  }
0xc3: {  	s30 =	sld [smem:$0x0];
	_ =	sdelay $0x2  }
0xc4: {  	s31 =	sshll.u32 s1, $0xD;
	s1 =	sshrl.u32 s1, $0x2  }
0xc5: {  	s3 =	sand.u32 $0x4000, s31;
	s1 =	sadd.s32 s1, s30  }
0xc6: {  	s0 =	sor.u32 s3, s0;
	s1 =	sshll.u32 s1, $0x11  }
0xc7: {  	s0 =	sor.u32 s1, s0  }
0xc8: {  	s0 =	sadd.s32 $0x8F2B, s0  }
0xc9: {  	[sflag:s0] =	ssyncadd.remote.s32 $0x1  }
0xca: {  	_ =	sfence.sel $0xFFFF  }
0xcb: {  	[dreg:$0x0] =	wrdreg $0xFFFFFFFF;
	(pc) =	sbr.abs _section_cstart, $3  }
0xcc: {  	[dreg:$0x1] =	wrdreg $0xFFFFFFFF  }
0xcd: {  	_ =	task.clear_ibuf [dreg:s11], $0x2FFFF;
	_ =	strace $0x9FFFFFFF  }
0xce: {  	(tm) =	ssettm $0x7FFFFFFF  }
0xcf: {  	_ =	shalt  }
tec
execute0_lowered:
.L_overlay_start_1:
0x0: {  	(tag) =	ssettag $0x1  }
0x1: {  	s0 =	rddreg [dreg:$0x0]  }
0x2: {  	s1 =	rddreg [dreg:$0x1]  }
0x3: {  	s5 =	rddreg [dreg:$0x2]  }
0x4: {  	s8 =	rddreg [dreg:$0x3]  }
0x5: {  	s9 =	rddreg [dreg:$0x4]  }
0x6: {  	s12 =	rddreg [dreg:$0x5]  }
0x7: {  	s15 =	rddreg [dreg:$0x6]  }
0x8: {  	s2 =	simm.s32 $0x0;
	s4 =	srdreg.scid;
	s17 =	stileid.u32  }
0x9: {  	s16 =	simm.s32 $0x1;
	s18 =	simm.s32 $0x1FA0;
	s19 =	simm.s32 $0x600  }
0xa: {  	s20 =	simm.s32 $0x21A0;
	s21 =	simm.s32 $0x800;
	s22 =	simm.s32 $0x23A0  }
0xb: {  	s23 =	simm.s32 $0x2;
	s24 =	simm.s32 $0x3;
	s25 =	simm.s32 $0x27A0  }
0xc: {  	s30 =	simm.s32 $0x0;
	[smem:$0x7FF] =	sst s2;
	s3 =	sadd.s32 $0xE00, s5  }
0xd: {  	s10 =	sand.u32 $0x1, s4;
	s4 =	sadd.s32 $0x7000, s5;
	s7 =	sshll.u32 s17, $0x1  }
0xe: {  	s5 =	sadd.s32 $0xC00, s5;
	s28 =	sshll.u32 s17, $0x5;
	p0 =	sne.s32 s17, $0x0  }
0xf: {  	_ =	strace $0x80000047;
	s6 =	ssub.s32 $0x2, s10;
	s7 =	sor.u32 s10, s7  }
0x10: {  	s29 =	sshll.u32 s10, $0x2;
	s11 =	sshrl.u32 s6, $0x1;
	s26 =	sshll.u32 s7, $0x6  }
.Ltmp0:
0x11: {  	s14 =	sshll.u32 s7, $0x7;
	s31 =	sadd.s32 s12, s29;
	(pc) =	sbr.rel .LBB2_1-.Ltmp0, $4  }
0x12: {  	s13 =	ssub.s32 s6, s11;
	s6 =	sadd.s32 s0, s26;
	s7 =	sadd.s32 s1, s26  }
0x13: {  	s8 =	sadd.s32 s8, s14;
	s9 =	sadd.s32 s9, s14;
	s11 =	sadd.s32 s28, s15  }
0x14: {  	[dreg:$0x8] =	wrdreg s31;
	s14 =	simm.s32 $0x1000;
	s15 =	simm.s32 $0x200  }
0x15: {  	s26 =	simm.s32 $0x2BA0;
	s10 =	sadd.s32 $0x1000, s9;
	s13 =	smax.u32 s13, $0x1  }
.LBB2_11:
0x16: {  	s30 =	sadd.s32 $0x1, s30  }
0x17: {  	p1 =	sne.s32 s30, s13  }
.Ltmp1:
0x18: {  	_ = 	snop;
	(pc) =	sbr.rel @!p1 .LBB2_12-.Ltmp1, $1  }
0x19: {  	_ =	sdelay $0x3  }
.LBB2_1:
0x1a: {  	[tilespmem:s14], [sflag:$0x2] =	stream.linear.gather [hbm4b:s5+s2], $0xFA0, $0x38;
	[tilespmem:$0x2E00] =	vst v63  }
0x1b: {  	_ = 	snop  }
0x1c: {  	[tilespmem:s2], [sflag:$0x1] =	stream.linear.gather [hbm4b:s6+s2], $0x200, $0x38;
	[tilespmem:$0x2E00] =	vst v63  }
0x1d: {  	_ = 	snop  }
0x1e: {  	[tilespmem:s15], [sflag:$0x1] =	stream.linear.gather [hbm4b:s7+s2], $0x200, $0x38;
	[tilespmem:$0x2E00] =	vst v63  }
0x1f: {  	_ =	swait.ge [sflag:s16], $0x200  }
0x20: {  	[sflag:s16] =	ssyncset.done $0x0  }
0x21: {  	[sflag:s16] =	ssyncadd.s32 $0xFFFFFE00  }
0x22: {  	_ =	swait.ge [sflag:s16], $0x200  }
0x23: {  	[sflag:s16] =	ssyncset.done $0x0  }
0x24: {  	s12 =	simm.s32 $0x0;
	[sflag:s16] =	ssyncadd.s32 $0xFFFFFE00  }
0x25: {  	v0 =	vld [tilespmem:s12+$0x0];
	_ =	sdelay $0x1  }
0x26: {  	s0 =	simm.s32 $0x0  }
0x27: {  	s0 =	sand.u32 $0x3FFFFF80, s0  }
0x28: {  	s0 =	sadd.s32 $0x0, s0  }
0x29: {  	[tilespmem:s0+$0x400] =	vst v0  }
0x2a: {  	v1 =	vadd.s32 $0x493E0, v0;
	[tilespmem:s0+$0x800] =	vst v0  }
0x2b: {  	v2 =	vadd.s32 $0x30D40, v0;
	[tilespmem:s0+$0xC80] =	vst v1  }
0x2c: {  	v0 =	vadd.s32 $0x186A0, v0;
	[tilespmem:s0+$0xC00] =	vst v2  }
0x2d: {  	[tilespmem:s0+$0x480] =	vst v0  }
0x2e: {  	[tilespmem:s0+$0x880] =	vst v0  }
0x2f: {  	s1 =	simm.s32 $0x0;
	s17 =	simm.s32 $0x0;
	v0 =	vld [tilespmem:s12+$0x10];
	s12 =	simm.s32 $0x0  }
.LBB2_2:
0x30: {  	_ = 	snop  }
0x31: {  	s1 =	sadd.s32 $0x2, s1;
	s12 =	sadd.s32 $0x2, s12;
	s17 =	sadd.s32 $0x80, s17  }
0x32: {  	p1 =	slt.u32 s1, $0x1E;
	_ =	sdelay $0x1  }
0x33: {  	[tilespmem:s0+$0x410] =	vst v0;
	v1 =	vadd.s32 $0x186A0, v0;
	v2 =	vadd.s32 $0x30D40, v0;
	v3 =	vadd.s32 $0x493E0, v0  }
0x34: {  	[tilespmem:s0+$0x490] =	vst v1  }
0x35: {  	[tilespmem:s0+$0x810] =	vst v0  }
0x36: {  	[tilespmem:s0+$0xC10] =	vst v2  }
0x37: {  	[tilespmem:s0+$0xC90] =	vst v3  }
0x38: {  	s28 =	sshra.s32 s17, $0x2;
	[tilespmem:s0+$0x890] =	vst v1  }
0x39: {  	v0 =	vld [tilespmem:s28+$0x0];
	_ =	sdelay $0x1  }
0x3a: {  	s0 =	sshll.u32 s12, $0x4  }
0x3b: {  	s0 =	sand.u32 $0x3FFFFF80, s0  }
0x3c: {  	s0 =	sadd.s32 s28, s0  }
0x3d: {  	[tilespmem:s0+$0x400] =	vst v0;
	v1 =	vadd.s32 $0x186A0, v0;
	v2 =	vadd.s32 $0x30D40, v0;
	v3 =	vadd.s32 $0x493E0, v0  }
0x3e: {  	[tilespmem:s0+$0x800] =	vst v0  }
.Ltmp2:
0x3f: {  	[tilespmem:s0+$0xC80] =	vst v3;
	(pc) =	sbr.rel @p1 .LBB2_2-.Ltmp2, $4  }
0x40: {  	[tilespmem:s0+$0xC00] =	vst v2  }
0x41: {  	[tilespmem:s0+$0x480] =	vst v1  }
0x42: {  	[tilespmem:s0+$0x880] =	vst v1  }
0x43: {  	v0 =	vld [tilespmem:s28+$0x10]  }
0x44: {  	_ =	sdelay $0x3  }
0x45: {  	[tilespmem:s0+$0x410] =	vst v0  }
0x46: {  	v1 =	vadd.s32 $0x186A0, v0;
	[tilespmem:s0+$0x810] =	vst v0  }
0x47: {  	v2 =	vadd.s32 $0x30D40, v0;
	[tilespmem:s0+$0x490] =	vst v1  }
0x48: {  	v0 =	vadd.s32 $0x493E0, v0;
	[tilespmem:s0+$0xC10] =	vst v2  }
0x49: {  	[tilespmem:s0+$0xC90] =	vst v0  }
0x4a: {  	s31 =	simm.s32 $0x400;
	[tilespmem:s0+$0x890] =	vst v1  }
0x4b: {  	[tilespmem:s18], [sflag:$0x1] =	stream.indirect.gather [hbm4b:s3+s15], $0x1, s31, s15, $0xb8;
	[tilespmem:$0x2E00] =	vst v63  }
0x4c: {  	_ = 	snop  }
0x4d: {  	[tilespmem:s20], [sflag:$0x1] =	stream.indirect.gather [hbm4b:s3+s15], $0x1, s19, s15, $0xb8;
	[tilespmem:$0x2E00] =	vst v63  }
0x4e: {  	_ = 	snop  }
0x4f: {  	[tilespmem:s22], [sflag:$0x1] =	stream.indirect.gather [hbm4b:s4+s21], $0x1, s21, s21, $0xb8;
	[tilespmem:$0x2E00] =	vst v63  }
0x50: {  	_ =	swait.ge [sflag:s16], $0x200  }
0x51: {  	[sflag:s16] =	ssyncset.done $0x0  }
0x52: {  	s0 =	simm.s32 $0x1FB0;
	[sflag:s16] =	ssyncadd.s32 $0xFFFFFE00  }
0x53: {  	v0 =	vld [tilespmem:s0+$0x0]  }
0x54: {  	v1 =	vld [tilespmem:s0+$0xFFFFFFF0];
	_ =	sdelay $0x3  }
0x55: {  	v2 =	vand.u32 $0x7FFFFFFF, v0  }
0x56: {  	v3 =	vand.u32 $0x7FFFFFFF, v1;
	v2 =	vsub.f32 $0.0e+00, v2  }
0x57: {  	v3 =	vsub.f32 $0.0e+00, v3  }
0x58: {  	v2 =	vmul.f32 $1.442695020e+00, v2  }
0x59: {  	v3 =	vmul.f32 $1.442695020e+00, v3  }
0x5a: {  	(erf) = vpow2.f32 v2  }
0x5b: {  	(erf) = vpow2.f32 v3;
	_ =	sdelay $0x7  }
0x5c: {  	v2 =	vpop (erf)  }
0x5d: {  	v3 =	vadd.f32 $2.000000000e+00, v2;
	v4 =	vpop (erf)  }
0x5e: {  	v5 =	vadd.f32 $2.000000000e+00, v4  }
0x5f: {  	(erf) = vrcp.f32 v3  }
0x60: {  	(erf) = vrcp.f32 v5;
	_ =	sdelay $0x7  }
0x61: {  	v3 =	vpop (erf)  }
0x62: {  	v2 =	vmul.f32 v3, v2;
	v3 =	vpop (erf)  }
0x63: {  	v3 =	vmul.f32 v3, v4  }
0x64: {  	v62 =	vmul.f32 v2, v2  }
0x65: {  	v63 =	vmul.f32 v3, v3  }
0x66: {  	v6 =	vmul.f32 $1.111111120e-01, v62  }
0x67: {  	v7 =	vmul.f32 $1.111111120e-01, v63  }
0x68: {  	v6 =	vadd.f32 $1.428571490e-01, v6  }
0x69: {  	v7 =	vadd.f32 $1.428571490e-01, v7  }
0x6a: {  	v6 =	vmul.f32 v6, v62  }
0x6b: {  	v7 =	vmul.f32 v7, v63  }
0x6c: {  	v6 =	vadd.f32 $2.000000030e-01, v6  }
0x6d: {  	v7 =	vadd.f32 $2.000000030e-01, v7  }
0x6e: {  	v6 =	vmul.f32 v6, v62  }
0x6f: {  	v7 =	vmul.f32 v7, v63  }
0x70: {  	v6 =	vadd.f32 $3.333333430e-01, v6  }
0x71: {  	v7 =	vadd.f32 $3.333333430e-01, v7  }
0x72: {  	v4 =	vmul.f32 v6, v62  }
0x73: {  	v5 =	vmul.f32 v7, v63  }
0x74: {  	v2 =	vadd.f32 v2, v2;
	v4 =	vadd.f32 $1.000000000e+00, v4  }
0x75: {  	v3 =	vadd.f32 v3, v3;
	v5 =	vadd.f32 $1.000000000e+00, v5  }
0x76: {  	v2 =	vmul.f32 v4, v2  }
0x77: {  	v0 =	vmin.f32 v0, $0.0e+00;
	v3 =	vmul.f32 v5, v3  }
0x78: {  	v2 =	vsub.f32 v0, v2;
	v0 =	vmin.f32 v1, $0.0e+00  }
0x79: {  	v0 =	vsub.f32 v0, v3  }
0x7a: {  	s1 =	simm.s32 $0x0;
	s12 =	simm.s32 $0x1FD0;
	[tilespmem:s0+$0x0] =	vst v2  }
.LBB2_4:
0x7b: {  	v1 =	vld [tilespmem:s12+$0x0];
	s1 =	sadd.s32 $0x2, s1;
	[tilespmem:s0+$0xFFFFFFF0] =	vst v0;
	s0 =	smov.u32 s12  }
0x7c: {  	v0 =	vld [tilespmem:s12+$0xFFFFFFF0];
	p1 =	slt.u32 s1, $0x1E;
	_ =	sdelay $0x3  }
0x7d: {  	v2 =	vand.u32 $0x7FFFFFFF, v1  }
0x7e: {  	v3 =	vmin.f32 v0, $0.0e+00;
	v0 =	vand.u32 $0x7FFFFFFF, v0;
	v2 =	vsub.f32 $0.0e+00, v2  }
0x7f: {  	v0 =	vsub.f32 $0.0e+00, v0  }
0x80: {  	v2 =	vmul.f32 $1.442695020e+00, v2  }
0x81: {  	v0 =	vmul.f32 $1.442695020e+00, v0  }
0x82: {  	(erf) = vpow2.f32 v2  }
0x83: {  	(erf) = vpow2.f32 v0;
	_ =	sdelay $0x7  }
0x84: {  	v0 =	vpop (erf)  }
0x85: {  	v2 =	vadd.f32 $2.000000000e+00, v0;
	v4 =	vpop (erf)  }
0x86: {  	v5 =	vadd.f32 $2.000000000e+00, v4  }
0x87: {  	(erf) = vrcp.f32 v2  }
0x88: {  	(erf) = vrcp.f32 v5;
	_ =	sdelay $0x7  }
0x89: {  	v2 =	vpop (erf)  }
0x8a: {  	v0 =	vmul.f32 v2, v0;
	v2 =	vpop (erf)  }
0x8b: {  	v2 =	vmul.f32 v2, v4  }
0x8c: {  	v4 =	vmul.f32 v0, v0  }
0x8d: {  	v5 =	vmul.f32 v2, v2;
	v2 =	vadd.f32 v2, v2  }
0x8e: {  	v6 =	vmul.f32 $1.111111120e-01, v4  }
0x8f: {  	v7 =	vmul.f32 $1.111111120e-01, v5  }
0x90: {  	v6 =	vadd.f32 $1.428571490e-01, v6  }
0x91: {  	v7 =	vadd.f32 $1.428571490e-01, v7  }
0x92: {  	v6 =	vmul.f32 v6, v4  }
0x93: {  	v7 =	vmul.f32 v7, v5  }
0x94: {  	v6 =	vadd.f32 $2.000000030e-01, v6  }
0x95: {  	v7 =	vadd.f32 $2.000000030e-01, v7  }
0x96: {  	v6 =	vmul.f32 v6, v4  }
0x97: {  	v7 =	vmul.f32 v7, v5  }
0x98: {  	v6 =	vadd.f32 $3.333333430e-01, v6  }
0x99: {  	v7 =	vadd.f32 $3.333333430e-01, v7  }
0x9a: {  	v4 =	vmul.f32 v6, v4  }
0x9b: {  	v5 =	vmul.f32 v7, v5  }
0x9c: {  	v0 =	vadd.f32 v0, v0;
	v4 =	vadd.f32 $1.000000000e+00, v4  }
0x9d: {  	v5 =	vadd.f32 $1.000000000e+00, v5  }
.Ltmp3:
0x9e: {  	v0 =	vmul.f32 v4, v0;
	(pc) =	sbr.rel @p1 .LBB2_4-.Ltmp3, $4  }
0x9f: {  	v1 =	vmin.f32 v1, $0.0e+00;
	v2 =	vmul.f32 v5, v2  }
0xa0: {  	v1 =	vsub.f32 v1, v0  }
0xa1: {  	v0 =	vsub.f32 v3, v2  }
0xa2: {  	s12 =	sadd.s32 $0x20, s12;
	[tilespmem:s0+$0x0] =	vst v1  }
0xa3: {  	[tilespmem:s0+$0xFFFFFFF0] =	vst v0  }
0xa4: {  	_ =	swait.ge [sflag:s16], $0x200  }
0xa5: {  	[sflag:s16] =	ssyncset.done $0x0  }
0xa6: {  	s0 =	simm.s32 $0x21B0;
	[sflag:s16] =	ssyncadd.s32 $0xFFFFFE00  }
0xa7: {  	v0 =	vld [tilespmem:s0+$0x0]  }
0xa8: {  	v1 =	vld [tilespmem:s0+$0xFFFFFFF0];
	_ =	sdelay $0x3  }
0xa9: {  	v2 =	vand.u32 $0x7FFFFFFF, v0  }
0xaa: {  	v3 =	vand.u32 $0x7FFFFFFF, v1;
	v2 =	vsub.f32 $0.0e+00, v2  }
0xab: {  	v3 =	vsub.f32 $0.0e+00, v3  }
0xac: {  	v2 =	vmul.f32 $1.442695020e+00, v2  }
0xad: {  	v3 =	vmul.f32 $1.442695020e+00, v3  }
0xae: {  	(erf) = vpow2.f32 v2  }
0xaf: {  	(erf) = vpow2.f32 v3;
	_ =	sdelay $0x7  }
0xb0: {  	v2 =	vpop (erf)  }
0xb1: {  	v3 =	vadd.f32 $2.000000000e+00, v2;
	v4 =	vpop (erf)  }
0xb2: {  	v5 =	vadd.f32 $2.000000000e+00, v4  }
0xb3: {  	(erf) = vrcp.f32 v3  }
0xb4: {  	(erf) = vrcp.f32 v5;
	_ =	sdelay $0x7  }
0xb5: {  	v3 =	vpop (erf)  }
0xb6: {  	v2 =	vmul.f32 v3, v2;
	v3 =	vpop (erf)  }
0xb7: {  	v3 =	vmul.f32 v3, v4  }
0xb8: {  	v62 =	vmul.f32 v2, v2  }
0xb9: {  	v63 =	vmul.f32 v3, v3  }
0xba: {  	v6 =	vmul.f32 $1.111111120e-01, v62  }
0xbb: {  	v7 =	vmul.f32 $1.111111120e-01, v63  }
0xbc: {  	v6 =	vadd.f32 $1.428571490e-01, v6  }
0xbd: {  	v7 =	vadd.f32 $1.428571490e-01, v7  }
0xbe: {  	v6 =	vmul.f32 v6, v62  }
0xbf: {  	v7 =	vmul.f32 v7, v63  }
0xc0: {  	v6 =	vadd.f32 $2.000000030e-01, v6  }
0xc1: {  	v7 =	vadd.f32 $2.000000030e-01, v7  }
0xc2: {  	v6 =	vmul.f32 v6, v62  }
0xc3: {  	v7 =	vmul.f32 v7, v63  }
0xc4: {  	v6 =	vadd.f32 $3.333333430e-01, v6  }
0xc5: {  	v7 =	vadd.f32 $3.333333430e-01, v7  }
0xc6: {  	v4 =	vmul.f32 v6, v62  }
0xc7: {  	v5 =	vmul.f32 v7, v63  }
0xc8: {  	v2 =	vadd.f32 v2, v2;
	v4 =	vadd.f32 $1.000000000e+00, v4  }
0xc9: {  	v3 =	vadd.f32 v3, v3;
	v5 =	vadd.f32 $1.000000000e+00, v5  }
0xca: {  	v2 =	vmul.f32 v4, v2  }
0xcb: {  	v0 =	vmin.f32 v0, $0.0e+00;
	v3 =	vmul.f32 v5, v3  }
0xcc: {  	v2 =	vsub.f32 v0, v2;
	v0 =	vmin.f32 v1, $0.0e+00  }
0xcd: {  	v0 =	vsub.f32 v0, v3  }
0xce: {  	s1 =	simm.s32 $0x20;
	s12 =	simm.s32 $0x21D0;
	[tilespmem:s0+$0x0] =	vst v2  }
.LBB2_6:
0xcf: {  	v1 =	vld [tilespmem:s12+$0x0];
	s1 =	sadd.s32 $0x2, s1;
	[tilespmem:s0+$0xFFFFFFF0] =	vst v0;
	s0 =	smov.u32 s12  }
0xd0: {  	v0 =	vld [tilespmem:s12+$0xFFFFFFF0];
	p1 =	slt.u32 s1, $0x3E;
	_ =	sdelay $0x3  }
0xd1: {  	v2 =	vand.u32 $0x7FFFFFFF, v1  }
0xd2: {  	v3 =	vmin.f32 v0, $0.0e+00;
	v0 =	vand.u32 $0x7FFFFFFF, v0;
	v2 =	vsub.f32 $0.0e+00, v2  }
0xd3: {  	v0 =	vsub.f32 $0.0e+00, v0  }
0xd4: {  	v2 =	vmul.f32 $1.442695020e+00, v2  }
0xd5: {  	v0 =	vmul.f32 $1.442695020e+00, v0  }
0xd6: {  	(erf) = vpow2.f32 v2  }
0xd7: {  	(erf) = vpow2.f32 v0;
	_ =	sdelay $0x7  }
0xd8: {  	v0 =	vpop (erf)  }
0xd9: {  	v2 =	vadd.f32 $2.000000000e+00, v0;
	v4 =	vpop (erf)  }
0xda: {  	v5 =	vadd.f32 $2.000000000e+00, v4  }
0xdb: {  	(erf) = vrcp.f32 v2  }
0xdc: {  	(erf) = vrcp.f32 v5;
	_ =	sdelay $0x7  }
0xdd: {  	v2 =	vpop (erf)  }
0xde: {  	v0 =	vmul.f32 v2, v0;
	v2 =	vpop (erf)  }
0xdf: {  	v2 =	vmul.f32 v2, v4  }
0xe0: {  	v4 =	vmul.f32 v0, v0  }
0xe1: {  	v5 =	vmul.f32 v2, v2;
	v2 =	vadd.f32 v2, v2  }
0xe2: {  	v6 =	vmul.f32 $1.111111120e-01, v4  }
0xe3: {  	v7 =	vmul.f32 $1.111111120e-01, v5  }
0xe4: {  	v6 =	vadd.f32 $1.428571490e-01, v6  }
0xe5: {  	v7 =	vadd.f32 $1.428571490e-01, v7  }
0xe6: {  	v6 =	vmul.f32 v6, v4  }
0xe7: {  	v7 =	vmul.f32 v7, v5  }
0xe8: {  	v6 =	vadd.f32 $2.000000030e-01, v6  }
0xe9: {  	v7 =	vadd.f32 $2.000000030e-01, v7  }
0xea: {  	v6 =	vmul.f32 v6, v4  }
0xeb: {  	v7 =	vmul.f32 v7, v5  }
0xec: {  	v6 =	vadd.f32 $3.333333430e-01, v6  }
0xed: {  	v7 =	vadd.f32 $3.333333430e-01, v7  }
0xee: {  	v4 =	vmul.f32 v6, v4  }
0xef: {  	v5 =	vmul.f32 v7, v5  }
0xf0: {  	v0 =	vadd.f32 v0, v0;
	v4 =	vadd.f32 $1.000000000e+00, v4  }
0xf1: {  	v5 =	vadd.f32 $1.000000000e+00, v5  }
.Ltmp4:
0xf2: {  	v0 =	vmul.f32 v4, v0;
	(pc) =	sbr.rel @p1 .LBB2_6-.Ltmp4, $4  }
0xf3: {  	v1 =	vmin.f32 v1, $0.0e+00;
	v2 =	vmul.f32 v5, v2  }
0xf4: {  	v1 =	vsub.f32 v1, v0  }
0xf5: {  	v0 =	vsub.f32 v3, v2  }
0xf6: {  	s12 =	sadd.s32 $0x20, s12;
	[tilespmem:s0+$0x0] =	vst v1  }
0xf7: {  	[tilespmem:s0+$0xFFFFFFF0] =	vst v0  }
0xf8: {  	_ =	swait.ge [sflag:s16], $0x800  }
0xf9: {  	[sflag:s16] =	ssyncset.done $0x0  }
0xfa: {  	[sflag:s16] =	ssyncadd.s32 $0xFFFFF800  }
0xfb: {  	_ =	swait.ge [sflag:s23], $0xFA0  }
0xfc: {  	[sflag:s23] =	ssyncset.done $0x0  }
0xfd: {  	s0 =	simm.s32 $0x0;
	[sflag:s23] =	ssyncadd.s32 $0xFFFFF060  }
0xfe: {  	v0 =	vld [tilespmem:s0+$0x200];
	_ =	sdelay $0x3  }
0xff: {  	s1 =	simm.s32 $0x0  }
0x100: {  	s1 =	sand.u32 $0x3FFFFF80, s1;
	v1 =	vadd.s32 $0x3E8, v0  }
0x101: {  	s31 =	sadd.s32 $0x0, s1  }
0x102: {  	v2 =	vld [tilespmem:s31+$0x23A0]  }
0x103: {  	v3 =	vld [tilespmem:s31+$0x2420]  }
0x104: {  	v6 =	vld.idx.msk [tilespmem:v0+s14+$0x0], $0xffff  }
0x105: {  	v4 =	vadd.s32 $0xBB8, v0;
	v13 =	vld.idx.msk [tilespmem:v1+s14+$0x0], $0xffff  }
0x106: {  	v10 =	vld [tilespmem:s31+$0x27A0];
	v0 =	vadd.s32 $0x7D0, v0  }
0x107: {  	v1 =	vmul.f32 v2, v2  }
0x108: {  	v14 =	vimm.f32 $0.0e+00;
	v9 =	vld [tilespmem:s31+$0x2820]  }
0x109: {  	v11 =	vmul.f32 v3, v3;
	v5 =	vadd.f32 v1, v14;
	v1 =	vld [tilespmem:s31+$0x23B0]  }
0x10a: {  	v7 =	vadd.f32 v6, v2;
	v2 =	vld.idx.msk [tilespmem:v4+s14+$0x0], $0xffff;
	v8 =	vadd.f32 v13, v3  }
0x10b: {  	v12 =	vmul.f32 v10, v10;
	v0 =	vld.idx.msk [tilespmem:v0+s14+$0x0], $0xffff;
	v5 =	vadd.f32 v11, v5  }
0x10c: {  	v3 =	vld [tilespmem:s31+$0x2430];
	v11 =	vmax.f32 v7, v8;
	v15 =	vmin.f32 v7, v8  }
0x10d: {  	v5 =	vadd.f32 v12, v5;
	v12 =	vmul.f32 v9, v9;
	v4 =	vsub.f32 v15, v11;
	_ =	sdelay $0x1  }
0x10e: {  	v16 =	vmul.f32 v1, v1;
	v12 =	vadd.f32 v12, v5;
	v15 =	vmul.f32 $1.442695020e+00, v4  }
0x10f: {  	v9 =	vadd.f32 v2, v9;
	v10 =	vadd.f32 v0, v10  }
0x110: {  	v12 =	vadd.f32 v16, v12;
	(erf) = vpow2.f32 v15;
	v15 =	vmul.f32 v3, v3  }
0x111: {  	v6 =	vmul.f32 v6, v6  }
0x112: {  	v17 =	vmin.f32 v10, v9;
	v15 =	vadd.f32 v15, v12;
	v12 =	vmax.f32 v10, v9  }
0x113: {  	v6 =	vadd.f32 v6, v14;
	v14 =	vsub.f32 v17, v12;
	_ =	sdelay $0x1  }
0x114: {  	v4 =	vld [tilespmem:s31+$0x27B0];
	v14 =	vmul.f32 $1.442695020e+00, v14;
	_ =	sdelay $0x1  }
0x115: {  	v5 =	vld [tilespmem:s31+$0x2830];
	(erf) = vpow2.f32 v14  }
0x116: {  	v13 =	vmul.f32 v13, v13;
	_ =	sdelay $0x1  }
0x117: {  	v6 =	vadd.f32 v13, v6;
	v13 =	vmul.f32 v0, v0;
	v62 =	vmul.f32 v4, v4;
	_ =	sdelay $0x1  }
0x118: {  	v63 =	vmul.f32 v5, v5;
	v15 =	vadd.f32 v62, v15;
	_ =	sdelay $0x1  }
0x119: {  	s28 =	simm.s32 $0x0;
	s29 =	simm.s32 $0x0;
	s1 =	simm.s32 $0x0;
	v6 =	vadd.f32 v13, v6;
	v0 =	vadd.f32 v63, v15;
	v13 =	vpop (erf)  }
.LBB2_8:
0x11a: {  	s29 =	sadd.s32 $0x2, s29;
	v14 =	vadd.f32 $2.000000000e+00, v13;
	s28 =	sadd.s32 $0x2, s28;
	s1 =	sadd.s32 $0x80, s1  }
0x11b: {  	p1 =	slt.u32 s29, $0x1E;
	v15 =	vpop (erf)  }
0x11c: {  	v16 =	vadd.f32 $2.000000000e+00, v15;
	(erf) = vrcp.f32 v14;
	_ =	sdelay $0x1  }
0x11d: {  	(erf) = vrcp.f32 v16;
	_ =	sdelay $0x2  }
0x11e: {  	s17 =	sshra.s32 s1, $0x2;
	_ =	sdelay $0x3  }
0x11f: {  	v14 =	vpop (erf)  }
0x120: {  	v13 =	vmul.f32 v14, v13  }
0x121: {  	v14 =	vpop (erf)  }
0x122: {  	v16 =	vmul.f32 v13, v13;
	v14 =	vmul.f32 v14, v15;
	_ =	sdelay $0x1  }
0x123: {  	v15 =	vmul.f32 $1.111111120e-01, v16;
	v17 =	vmul.f32 v14, v14;
	_ =	sdelay $0x1  }
0x124: {  	v15 =	vadd.f32 $1.428571490e-01, v15;
	v18 =	vmul.f32 $1.111111120e-01, v17;
	_ =	sdelay $0x1  }
0x125: {  	v15 =	vmul.f32 v15, v16;
	v18 =	vadd.f32 $1.428571490e-01, v18;
	_ =	sdelay $0x1  }
0x126: {  	v15 =	vadd.f32 $2.000000030e-01, v15;
	v18 =	vmul.f32 v18, v17;
	_ =	sdelay $0x1  }
0x127: {  	v15 =	vmul.f32 v15, v16;
	v18 =	vadd.f32 $2.000000030e-01, v18;
	_ =	sdelay $0x1  }
0x128: {  	v15 =	vadd.f32 $3.333333430e-01, v15;
	v18 =	vmul.f32 v18, v17;
	_ =	sdelay $0x1  }
0x129: {  	v15 =	vmul.f32 v15, v16;
	v16 =	vadd.f32 $3.333333430e-01, v18;
	_ =	sdelay $0x1  }
0x12a: {  	v13 =	vadd.f32 v13, v13;
	v15 =	vadd.f32 $1.000000000e+00, v15;
	v16 =	vmul.f32 v16, v17;
	_ =	sdelay $0x1  }
0x12b: {  	v14 =	vadd.f32 v14, v14;
	v13 =	vmul.f32 v15, v13;
	v15 =	vadd.f32 $1.000000000e+00, v16;
	_ =	sdelay $0x1  }
0x12c: {  	v11 =	vadd.f32 v13, v11;
	v13 =	vmul.f32 v15, v14  }
0x12d: {  	s12 =	sshll.u32 s28, $0x4  }
0x12e: {  	s12 =	sand.u32 $0x3FFFFF80, s12;
	v12 =	vadd.f32 v13, v12;
	v7 =	vsub.f32 v7, v11  }
0x12f: {  	s12 =	sadd.s32 s17, s12;
	v8 =	vsub.f32 v8, v11  }
0x130: {  	[tilespmem:s31+$0x23A0] =	vst v7;
	v7 =	vsub.f32 v10, v12;
	v9 =	vsub.f32 v9, v12  }
0x131: {  	[tilespmem:s31+$0x2420] =	vst v8  }
0x132: {  	[tilespmem:s31+$0x27A0] =	vst v7  }
0x133: {  	[tilespmem:s31+$0x2820] =	vst v9  }
0x134: {  	v7 =	vld [tilespmem:s0+$0x210];
	s0 =	smov.u32 s17;
	_ =	sdelay $0x4  }
0x135: {  	v8 =	vadd.s32 $0x3E8, v7;
	v9 =	vadd.s32 $0x7D0, v7;
	v10 =	vadd.s32 $0xBB8, v7;
	_ =	sdelay $0x2  }
0x136: {  	v7 =	vld.idx.msk [tilespmem:v7+s14+$0x0], $0xffff;
	_ =	sdelay $0x1  }
0x137: {  	v10 =	vld.idx.msk [tilespmem:v10+s14+$0x0], $0xffff  }
0x138: {  	v9 =	vld.idx.msk [tilespmem:v9+s14+$0x0], $0xffff  }
0x139: {  	v2 =	vmul.f32 v2, v2;
	v8 =	vld.idx.msk [tilespmem:v8+s14+$0x0], $0xffff;
	_ =	sdelay $0x1  }
0x13a: {  	v2 =	vadd.f32 v2, v6;
	v6 =	vmul.f32 v7, v7;
	_ =	sdelay $0x1  }
0x13b: {  	v2 =	vadd.f32 v6, v2  }
0x13c: {  	v5 =	vadd.f32 v10, v5;
	v4 =	vadd.f32 v9, v4  }
0x13d: {  	v1 =	vadd.f32 v7, v1;
	v6 =	vmul.f32 v8, v8;
	v3 =	vadd.f32 v8, v3  }
0x13e: {  	v7 =	vmax.f32 v4, v5;
	v8 =	vmin.f32 v4, v5  }
0x13f: {  	v11 =	vmax.f32 v1, v3;
	v12 =	vmin.f32 v1, v3;
	v8 =	vsub.f32 v8, v7  }
0x140: {  	v2 =	vadd.f32 v6, v2;
	v6 =	vmul.f32 v9, v9;
	v9 =	vsub.f32 v12, v11  }
0x141: {  	v8 =	vmul.f32 $1.442695020e+00, v8  }
0x142: {  	v2 =	vadd.f32 v6, v2;
	v6 =	vmul.f32 v10, v10;
	v9 =	vmul.f32 $1.442695020e+00, v9  }
0x143: {  	(erf) = vpow2.f32 v8  }
0x144: {  	v6 =	vadd.f32 v6, v2;
	(erf) = vpow2.f32 v9;
	_ =	sdelay $0x7  }
0x145: {  	v2 =	vpop (erf)  }
0x146: {  	v8 =	vadd.f32 $2.000000000e+00, v2;
	v9 =	vpop (erf)  }
0x147: {  	v10 =	vadd.f32 $2.000000000e+00, v9  }
0x148: {  	(erf) = vrcp.f32 v8  }
0x149: {  	(erf) = vrcp.f32 v10;
	_ =	sdelay $0x7  }
0x14a: {  	v8 =	vpop (erf)  }
0x14b: {  	v2 =	vmul.f32 v8, v2;
	v8 =	vpop (erf)  }
0x14c: {  	v8 =	vmul.f32 v8, v9  }
0x14d: {  	v9 =	vmul.f32 v2, v2  }
0x14e: {  	v10 =	vmul.f32 v8, v8  }
0x14f: {  	v12 =	vmul.f32 $1.111111120e-01, v9  }
0x150: {  	v13 =	vmul.f32 $1.111111120e-01, v10  }
0x151: {  	v12 =	vadd.f32 $1.428571490e-01, v12  }
0x152: {  	v13 =	vadd.f32 $1.428571490e-01, v13  }
0x153: {  	v12 =	vmul.f32 v12, v9  }
0x154: {  	v13 =	vmul.f32 v13, v10  }
0x155: {  	v12 =	vadd.f32 $2.000000030e-01, v12  }
0x156: {  	v13 =	vadd.f32 $2.000000030e-01, v13  }
0x157: {  	v12 =	vmul.f32 v12, v9  }
0x158: {  	v13 =	vmul.f32 v13, v10  }
0x159: {  	v12 =	vadd.f32 $3.333333430e-01, v12  }
0x15a: {  	v13 =	vadd.f32 $3.333333430e-01, v13  }
0x15b: {  	v9 =	vmul.f32 v12, v9  }
0x15c: {  	v2 =	vadd.f32 v2, v2;
	v10 =	vmul.f32 v13, v10  }
0x15d: {  	v9 =	vadd.f32 $1.000000000e+00, v9  }
0x15e: {  	v8 =	vadd.f32 v8, v8;
	v10 =	vadd.f32 $1.000000000e+00, v10  }
0x15f: {  	v2 =	vmul.f32 v9, v2  }
0x160: {  	v9 =	vld [tilespmem:s12+$0x23A0];
	v8 =	vmul.f32 v10, v8  }
0x161: {  	v2 =	vadd.f32 v2, v7  }
0x162: {  	v10 =	vld [tilespmem:s12+$0x2420];
	v7 =	vadd.f32 v8, v11  }
0x163: {  	v4 =	vsub.f32 v4, v2;
	v2 =	vsub.f32 v5, v2  }
0x164: {  	v11 =	vld [tilespmem:s12+$0x27A0];
	v1 =	vsub.f32 v1, v7;
	v3 =	vsub.f32 v3, v7  }
0x165: {  	v5 =	vmul.f32 v9, v9;
	[tilespmem:s31+$0x27B0] =	vst v4  }
0x166: {  	v12 =	vld [tilespmem:s12+$0x2820];
	[tilespmem:s31+$0x2830] =	vst v2  }
0x167: {  	v0 =	vadd.f32 v5, v0;
	v2 =	vmul.f32 v10, v10;
	[tilespmem:s31+$0x23B0] =	vst v1  }
0x168: {  	v1 =	vld [tilespmem:s12+$0x23B0];
	[tilespmem:s31+$0x2430] =	vst v3;
	s31 =	smov.u32 s12  }
0x169: {  	v7 =	vld [tilespmem:s0+$0x200];
	v0 =	vadd.f32 v2, v0;
	v2 =	vmul.f32 v11, v11  }
0x16a: {  	v3 =	vld [tilespmem:s31+$0x2430]  }
0x16b: {  	v0 =	vadd.f32 v2, v0;
	v2 =	vmul.f32 v12, v12  }
0x16c: {  	v4 =	vld [tilespmem:s31+$0x27B0]  }
0x16d: {  	v0 =	vadd.f32 v2, v0;
	v2 =	vmul.f32 v1, v1  }
0x16e: {  	v8 =	vadd.s32 $0x3E8, v7;
	v13 =	vadd.s32 $0x7D0, v7;
	v14 =	vadd.s32 $0xBB8, v7;
	v5 =	vld [tilespmem:s31+$0x2830]  }
0x16f: {  	v0 =	vadd.f32 v2, v0;
	v2 =	vmul.f32 v3, v3;
	_ =	sdelay $0x1  }
0x170: {  	v7 =	vld.idx.msk [tilespmem:v7+s14+$0x0], $0xffff;
	v0 =	vadd.f32 v2, v0;
	v2 =	vmul.f32 v4, v4;
	_ =	sdelay $0x1  }
0x171: {  	v8 =	vld.idx.msk [tilespmem:v8+s14+$0x0], $0xffff;
	v0 =	vadd.f32 v2, v0;
	v15 =	vmul.f32 v5, v5  }
0x172: {  	v2 =	vld.idx.msk [tilespmem:v14+s14+$0x0], $0xffff  }
0x173: {  	v13 =	vld.idx.msk [tilespmem:v13+s14+$0x0], $0xffff;
	v0 =	vadd.f32 v15, v0;
	_ =	sdelay $0x1  }
0x174: {  	v14 =	vmul.f32 v7, v7;
	v7 =	vadd.f32 v7, v9;
	_ =	sdelay $0x1  }
0x175: {  	v6 =	vadd.f32 v14, v6;
	v14 =	vmul.f32 v8, v8;
	v8 =	vadd.f32 v8, v10  }
0x176: {  	v9 =	vadd.f32 v2, v12  }
0x177: {  	v10 =	vadd.f32 v13, v11;
	v11 =	vmax.f32 v7, v8;
	v12 =	vmin.f32 v7, v8  }
0x178: {  	v6 =	vadd.f32 v14, v6;
	v13 =	vmul.f32 v13, v13;
	v14 =	vsub.f32 v12, v11  }
0x179: {  	v12 =	vmax.f32 v10, v9;
	v15 =	vmin.f32 v10, v9  }
0x17a: {  	v6 =	vadd.f32 v13, v6;
	v13 =	vmul.f32 $1.442695020e+00, v14;
	v14 =	vsub.f32 v15, v12;
	_ =	sdelay $0x1  }
0x17b: {  	v14 =	vmul.f32 $1.442695020e+00, v14;
	(erf) = vpow2.f32 v13;
	_ =	sdelay $0x1  }
0x17c: {  	(erf) = vpow2.f32 v14;
	_ =	sdelay $0x2  }
.Ltmp5:
0x17d: {  	(pc) =	sbr.rel @p1 .LBB2_8-.Ltmp5, $2  }
0x17e: {  	_ =	sdelay $0x2  }
0x17f: {  	v13 =	vpop (erf)  }
0x180: {  	v14 =	vadd.f32 $2.000000000e+00, v13  }
0x181: {  	v15 =	vpop (erf)  }
0x182: {  	v16 =	vadd.f32 $2.000000000e+00, v15;
	(erf) = vrcp.f32 v14;
	_ =	sdelay $0x1  }
0x183: {  	(erf) = vrcp.f32 v16;
	_ =	sdelay $0x6  }
0x184: {  	v14 =	vpop (erf)  }
0x185: {  	v35 =	vmul.f32 v14, v13  }
0x186: {  	v36 =	vpop (erf)  }
0x187: {  	v37 =	vmul.f32 v35, v35;
	v14 =	vmul.f32 v36, v15;
	_ =	sdelay $0x1  }
0x188: {  	v38 =	vmul.f32 $1.111111120e-01, v37;
	v17 =	vmul.f32 v14, v14;
	_ =	sdelay $0x1  }
0x189: {  	v15 =	vadd.f32 $1.428571490e-01, v38;
	v18 =	vmul.f32 $1.111111120e-01, v17;
	_ =	sdelay $0x1  }
0x18a: {  	v15 =	vmul.f32 v15, v37;
	v18 =	vadd.f32 $1.428571490e-01, v18;
	_ =	sdelay $0x1  }
0x18b: {  	v15 =	vadd.f32 $2.000000030e-01, v15;
	v18 =	vmul.f32 v18, v17;
	_ =	sdelay $0x1  }
0x18c: {  	v15 =	vmul.f32 v15, v37;
	v18 =	vadd.f32 $2.000000030e-01, v18;
	_ =	sdelay $0x1  }
0x18d: {  	v15 =	vadd.f32 $3.333333430e-01, v15;
	v18 =	vmul.f32 v18, v17;
	_ =	sdelay $0x1  }
0x18e: {  	v15 =	vmul.f32 v15, v37;
	v39 =	vadd.f32 $3.333333430e-01, v18;
	_ =	sdelay $0x1  }
0x18f: {  	v13 =	vadd.f32 v35, v35;
	v15 =	vadd.f32 $1.000000000e+00, v15;
	v16 =	vmul.f32 v39, v17;
	_ =	sdelay $0x1  }
0x190: {  	v14 =	vadd.f32 v14, v14;
	v13 =	vmul.f32 v15, v13;
	v40 =	vadd.f32 $1.000000000e+00, v16;
	_ =	sdelay $0x1  }
0x191: {  	v11 =	vadd.f32 v13, v11;
	v41 =	vmul.f32 v40, v14;
	_ =	sdelay $0x1  }
0x192: {  	v12 =	vadd.f32 v41, v12;
	v7 =	vsub.f32 v7, v11  }
0x193: {  	v8 =	vsub.f32 v8, v11  }
0x194: {  	[tilespmem:s31+$0x23A0] =	vst v7;
	v42 =	vsub.f32 v10, v12  }
0x195: {  	v9 =	vsub.f32 v9, v12;
	[tilespmem:s31+$0x2420] =	vst v8  }
0x196: {  	[tilespmem:s31+$0x27A0] =	vst v42  }
0x197: {  	[tilespmem:s31+$0x2820] =	vst v9  }
0x198: {  	v7 =	vld [tilespmem:s0+$0x210];
	_ =	sdelay $0x4  }
0x199: {  	v43 =	vadd.s32 $0xBB8, v7  }
0x19a: {  	v44 =	vadd.s32 $0x7D0, v7;
	_ =	sdelay $0x1  }
0x19b: {  	v45 =	vadd.s32 $0x3E8, v7;
	_ =	sdelay $0x1  }
0x19c: {  	v8 =	vld.idx.msk [tilespmem:v43+s14+$0x0], $0xffff  }
0x19d: {  	v9 =	vld.idx.msk [tilespmem:v44+s14+$0x0], $0xffff  }
0x19e: {  	v7 =	vld.idx.msk [tilespmem:v7+s14+$0x0], $0xffff  }
0x19f: {  	v10 =	vld.idx.msk [tilespmem:v45+s14+$0x0], $0xffff;
	_ =	sdelay $0x2  }
0x1a0: {  	v4 =	vadd.f32 v9, v4;
	v5 =	vadd.f32 v8, v5  }
0x1a1: {  	v1 =	vadd.f32 v7, v1  }
0x1a2: {  	v3 =	vadd.f32 v10, v3;
	v46 =	vmax.f32 v4, v5;
	v47 =	vmin.f32 v4, v5  }
0x1a3: {  	v12 =	vsub.f32 v47, v46  }
0x1a4: {  	v48 =	vmax.f32 v1, v3;
	v49 =	vmin.f32 v1, v3  }
0x1a5: {  	v14 =	vsub.f32 v49, v48;
	v12 =	vmul.f32 $1.442695020e+00, v12;
	_ =	sdelay $0x1  }
0x1a6: {  	v14 =	vmul.f32 $1.442695020e+00, v14;
	(erf) = vpow2.f32 v12;
	_ =	sdelay $0x1  }
0x1a7: {  	(erf) = vpow2.f32 v14;
	_ =	sdelay $0x6  }
0x1a8: {  	v12 =	vpop (erf)  }
0x1a9: {  	v50 =	vadd.f32 $2.000000000e+00, v12  }
0x1aa: {  	v51 =	vpop (erf)  }
0x1ab: {  	v52 =	vadd.f32 $2.000000000e+00, v51;
	(erf) = vrcp.f32 v50;
	_ =	sdelay $0x1  }
0x1ac: {  	(erf) = vrcp.f32 v52;
	_ =	sdelay $0x6  }
0x1ad: {  	v14 =	vpop (erf)  }
0x1ae: {  	v12 =	vmul.f32 v14, v12  }
0x1af: {  	v53 =	vpop (erf)  }
0x1b0: {  	v14 =	vmul.f32 v53, v51;
	v54 =	vmul.f32 v12, v12;
	_ =	sdelay $0x1  }
0x1b1: {  	v55 =	vmul.f32 v14, v14;
	v56 =	vmul.f32 $1.111111120e-01, v54;
	_ =	sdelay $0x1  }
0x1b2: {  	v57 =	vmul.f32 $1.111111120e-01, v55;
	v17 =	vadd.f32 $1.428571490e-01, v56;
	_ =	sdelay $0x1  }
0x1b3: {  	v18 =	vadd.f32 $1.428571490e-01, v57;
	v17 =	vmul.f32 v17, v54;
	_ =	sdelay $0x1  }
0x1b4: {  	v18 =	vmul.f32 v18, v55;
	v17 =	vadd.f32 $2.000000030e-01, v17;
	_ =	sdelay $0x1  }
0x1b5: {  	v18 =	vadd.f32 $2.000000030e-01, v18;
	v17 =	vmul.f32 v17, v54;
	_ =	sdelay $0x1  }
0x1b6: {  	v18 =	vmul.f32 v18, v55;
	v17 =	vadd.f32 $3.333333430e-01, v17;
	_ =	sdelay $0x1  }
0x1b7: {  	v18 =	vadd.f32 $3.333333430e-01, v18;
	v15 =	vmul.f32 v17, v54;
	_ =	sdelay $0x1  }
0x1b8: {  	v12 =	vadd.f32 v12, v12;
	v16 =	vmul.f32 v18, v55;
	v15 =	vadd.f32 $1.000000000e+00, v15;
	_ =	sdelay $0x1  }
0x1b9: {  	v14 =	vadd.f32 v14, v14;
	v16 =	vadd.f32 $1.000000000e+00, v16;
	v12 =	vmul.f32 v15, v12;
	_ =	sdelay $0x1  }
0x1ba: {  	v14 =	vmul.f32 v16, v14;
	v11 =	vadd.f32 v12, v46;
	_ =	sdelay $0x1  }
0x1bb: {  	v58 =	vadd.f32 v14, v48;
	v4 =	vsub.f32 v4, v11  }
0x1bc: {  	v5 =	vsub.f32 v5, v11  }
0x1bd: {  	v1 =	vsub.f32 v1, v58;
	[tilespmem:s31+$0x27B0] =	vst v4  }
0x1be: {  	v3 =	vsub.f32 v3, v58;
	[tilespmem:s31+$0x2830] =	vst v5  }
0x1bf: {  	[tilespmem:s31+$0x23B0] =	vst v1  }
0x1c0: {  	v59 =	vmul.f32 v2, v2;
	[tilespmem:s31+$0x2430] =	vst v3  }
0x1c1: {  	[hbm4b:s8+s2] =	stream.linear.scatter [tilespmem:s18], [sflag:$0x3], $0x400, $0x38;
	[tilespmem:$0x2E00] =	vst v63  }
0x1c2: {  	v60 =	vmul.f32 v7, v7;
	v1 =	vadd.f32 v59, v6;
	_ =	swait.ge [sflag:s24], $0x400  }
0x1c3: {  	[sflag:s24] =	ssyncset.done $0x0  }
0x1c4: {  	v61 =	vmul.f32 v10, v10;
	v1 =	vadd.f32 v60, v1;
	[sflag:s24] =	ssyncadd.s32 $0xFFFFFC00  }
0x1c5: {  	[hbm4b:s9+s2] =	stream.linear.scatter [tilespmem:s22], [sflag:$0x3], $0x400, $0x38;
	[tilespmem:$0x2E00] =	vst v63  }
0x1c6: {  	v62 =	vmul.f32 v9, v9;
	v1 =	vadd.f32 v61, v1;
	_ =	swait.ge [sflag:s24], $0x400  }
0x1c7: {  	[sflag:s24] =	ssyncset.done $0x0  }
0x1c8: {  	v63 =	vmul.f32 v8, v8;
	v1 =	vadd.f32 v62, v1;
	[sflag:s24] =	ssyncadd.s32 $0xFFFFFC00  }
0x1c9: {  	[hbm4b:s10+s2] =	stream.linear.scatter [tilespmem:s25], [sflag:$0x3], $0x400, $0x38;
	[tilespmem:$0x2E00] =	vst v63  }
0x1ca: {  	v1 =	vadd.f32 v63, v1;
	_ =	swait.ge [sflag:s24], $0x400  }
0x1cb: {  	v0 =	vmul.f32 $5.000000000e+00, v0;
	[sflag:s24] =	ssyncset.done $0x0  }
0x1cc: {  	v1 =	vmul.f32 $5.000000000e-01, v1;
	[sflag:s24] =	ssyncadd.s32 $0xFFFFFC00  }
0x1cd: {  	[tilespmem:$0x2BA0] =	vst v0  }
0x1ce: {  	[tilespmem:$0x2BB0] =	vst v1  }
0x1cf: {  	[spmem:s11] =	stream.linear.scatter [tilespmem:s26], [sflag:$0x3], $0x20, $0x38;
	[tilespmem:$0x2E00] =	vst v63  }
.Ltmp6:
0x1d0: {  	_ =	swait.ge [sflag:s24], $0x20;
	(pc) =	sbr.rel @p0 .LBB2_11-.Ltmp6, $3  }
0x1d1: {  	[sflag:s24] =	ssyncset.done $0x0  }
0x1d2: {  	[sflag:s24] =	ssyncadd.s32 $0xFFFFFFE0  }
0x1d3: {  	[bflag:$0x0] =	sbarrier.arrive $0xFFFF;
	_ =	sdelay $0x1  }
0x1d4: {  	s0 =	rddreg [dreg:$0x6];
	s1 =	simm.s32 $0x2BC0  }
0x1d5: {  	[tilespmem:s1], [sflag:$0x3] =	stream.linear.gather [spmem:s0], $0x200, $0x38;
	[tilespmem:$0x2E00] =	vst v63  }
0x1d6: {  	_ =	swait.ge [sflag:s24], $0x200  }
0x1d7: {  	[sflag:s24] =	ssyncset.done $0x0  }
0x1d8: {  	[sflag:s24] =	ssyncadd.s32 $0xFFFFFE00  }
0x1d9: {  	v0 =	vld [tilespmem:$0x2BC0]  }
0x1da: {  	v1 =	vld [tilespmem:$0x2BD0]  }
0x1db: {  	v2 =	vld [tilespmem:$0x2BE0]  }
0x1dc: {  	v3 =	vld [tilespmem:$0x2BF0]  }
0x1dd: {  	v4 =	vld [tilespmem:$0x2C00]  }
0x1de: {  	v5 =	vld [tilespmem:$0x2C10]  }
0x1df: {  	v6 =	vld [tilespmem:$0x2C20]  }
0x1e0: {  	v39 =	vld [tilespmem:$0x2C30];
	v0 =	vadd.f32 v2, v0  }
0x1e1: {  	v40 =	vld [tilespmem:$0x2C40];
	v1 =	vadd.f32 v3, v1  }
0x1e2: {  	v41 =	vld [tilespmem:$0x2C50];
	v0 =	vadd.f32 v4, v0  }
0x1e3: {  	v42 =	vld [tilespmem:$0x2C60];
	v1 =	vadd.f32 v5, v1  }
0x1e4: {  	v43 =	vld [tilespmem:$0x2C70];
	v0 =	vadd.f32 v6, v0  }
0x1e5: {  	v44 =	vld [tilespmem:$0x2C80];
	v1 =	vadd.f32 v39, v1  }
0x1e6: {  	v45 =	vld [tilespmem:$0x2C90];
	v0 =	vadd.f32 v40, v0  }
0x1e7: {  	v46 =	vld [tilespmem:$0x2CA0];
	v1 =	vadd.f32 v41, v1  }
0x1e8: {  	v47 =	vld [tilespmem:$0x2CB0];
	v0 =	vadd.f32 v42, v0  }
0x1e9: {  	v48 =	vld [tilespmem:$0x2CC0];
	v1 =	vadd.f32 v43, v1  }
0x1ea: {  	v49 =	vld [tilespmem:$0x2CD0];
	v0 =	vadd.f32 v44, v0  }
0x1eb: {  	v50 =	vld [tilespmem:$0x2CE0];
	v1 =	vadd.f32 v45, v1  }
0x1ec: {  	v51 =	vld [tilespmem:$0x2CF0];
	v0 =	vadd.f32 v46, v0  }
0x1ed: {  	v52 =	vld [tilespmem:$0x2D00];
	v1 =	vadd.f32 v47, v1  }
0x1ee: {  	v53 =	vld [tilespmem:$0x2D10];
	v0 =	vadd.f32 v48, v0  }
0x1ef: {  	v54 =	vld [tilespmem:$0x2D20];
	v1 =	vadd.f32 v49, v1  }
0x1f0: {  	v55 =	vld [tilespmem:$0x2D30];
	v0 =	vadd.f32 v50, v0  }
0x1f1: {  	v56 =	vld [tilespmem:$0x2D40];
	v1 =	vadd.f32 v51, v1  }
0x1f2: {  	v57 =	vld [tilespmem:$0x2D50];
	v0 =	vadd.f32 v52, v0  }
0x1f3: {  	v58 =	vld [tilespmem:$0x2D60];
	v1 =	vadd.f32 v53, v1  }
0x1f4: {  	v59 =	vld [tilespmem:$0x2D70];
	v0 =	vadd.f32 v54, v0  }
0x1f5: {  	v60 =	vld [tilespmem:$0x2D80];
	v1 =	vadd.f32 v55, v1  }
0x1f6: {  	v61 =	vld [tilespmem:$0x2D90];
	v0 =	vadd.f32 v56, v0  }
0x1f7: {  	v62 =	vld [tilespmem:$0x2DA0];
	v1 =	vadd.f32 v57, v1  }
0x1f8: {  	v63 =	vld [tilespmem:$0x2DB0];
	v0 =	vadd.f32 v58, v0  }
0x1f9: {  	v1 =	vadd.f32 v59, v1  }
0x1fa: {  	v0 =	vadd.f32 v60, v0  }
0x1fb: {  	v1 =	vadd.f32 v61, v1  }
0x1fc: {  	v0 =	vadd.f32 v62, v0  }
0x1fd: {  	v1 =	vadd.f32 v63, v1  }
0x1fe: {  	(xrf2) =	vadd.scan.msk.f32 $0xffff, v0  }
0x1ff: {  	(xrf2) =	vadd.scan.msk.f32 $0xffff, v1;
	_ =	sdelay $0x8  }
0x200: {  	v0, _, _ =	vpop (xrf2)  }
0x201: {  	v0 =	vbroadcast v0, $0xF;
	v1, _, _ =	vpop (xrf2)  }
0x202: {  	v1 =	vbroadcast v1, $0xF  }
0x203: {  	[tilespmem:$0x2DC0] =	vst v0  }
.Ltmp7:
0x204: {  	s31 =	simm.s32 $0x2DC0;
	s29 =	rddreg [dreg:$0x8];
	[tilespmem:$0x2DD0] =	vst v1;
	(pc) =	sbr.rel .LBB2_11-.Ltmp7, $4  }
0x205: {  	[hbm4b:s29+s2] =	stream.linear.scatter [tilespmem:s31], [sflag:$0x3], $0x20, $0x38;
	[tilespmem:$0x2E00] =	vst v63  }
0x206: {  	_ =	swait.ge [sflag:s24], $0x20  }
0x207: {  	[sflag:s24] =	ssyncset.done $0x0  }
0x208: {  	[sflag:s24] =	ssyncadd.s32 $0xFFFFFFE0  }
.LBB2_12:
0x209: {  	_ =	sfence.sel $0x180000  }
0x20a: {  	[bflag:$0x0] =	sbarrier.arrive $0xFFFF  }
0x20b: {  	_ =	strace $0x90000047  }
0x20c: {  	[bflag:$0x2] =	sbarrier.arrive $0xFFFF  }
0x20d: {  	s0 =	rddreg [dreg:$0x7]  }
0x20e: {  	s0 =	sadd.s32 @!p0 $0x100000, s0  }
0x20f: {  	[sflag:s0] =	ssyncadd.tile.s32 @!p0 $0x1;
	_ =	shalt  }
.Lfunc_end2:
_tile_overlayer_lowered:
.L_overlay_start_2:
0x210: {  	(tag) =	ssettag $0x2  }
0x211: {  	s0 =	rddreg [dreg:$0x0];
	s2 =	stileid.u32  }
0x212: {  	s1 =	rddreg [dreg:$0x1];
	p0 =	sne.s32 s2, $0x0  }
0x213: {  	s3 =	rddreg [dreg:$0x2];
	[bflag:$0x3] =	sbarrier.arrive $0xFFFF;
	s2 =	simm.s32 @!p0 $0x1C03  }
0x214: {  	[timem:s3], [sflag:s2] =	dma.local @!p0 [hbm:s0], s1  }
0x215: {  	s0 =	simm.s32 @!p0 $0x3  }
0x216: {  	_ =	swait.ge @!p0 [sflag:s0], s1  }
0x217: {  	s1 =	ssub.s32 @!p0 $0x0, s1;
	[sflag:s0] =	ssyncset.done @!p0 $0x0  }
0x218: {  	[sflag:s0] =	ssyncadd.s32 @!p0 s1  }
0x219: {  	[bflag:$0x3] =	sbarrier.arrive $0xFFFF  }
0x21a: {  	_ =	shalt  }

</sc_bundles>
